<compile_context>
chip_gen: v7x
topology: tpu7x:2x2x1
jax: 0.10.2.dev20260603
libtpu: 0.0.44.dev20260713+nightly
codegen_flags: <defaults>
</compile_context>

<pallas_src>
import functools

import jax
import jax.numpy as jnp
from jax import lax
from jax.experimental import pallas as pl
from jax.experimental.pallas import tpu as pltpu
from jax.experimental.pallas import tpu_sc as plsc

IN_F = 4096
OUT_F = 4096
T = 32
L = 16
NC = 2
NS = 16
NW = NC * NS
B = 128
ROWS_PER_TILE = OUT_F // NS


def _comp_body(nb, chunk, xT_hbm, rows_hbm, cols_hbm, vals_hbm, out_hbm,
               stage_v, cols_v, vals_v, rows_v, gath_v, scaled_v,
               bcols_v, brows_v, xT_sh, acc_sh):
    c = lax.axis_index("c")
    s = lax.axis_index("s")
    wid = c * NS + s

    def _zero(i, _):
        stage_v[i, pl.ds(0, L)] = jnp.zeros((L,), jnp.float32)
        stage_v[i, pl.ds(L, L)] = jnp.zeros((L,), jnp.float32)
        return 0
    lax.fori_loop(0, ROWS_PER_TILE, _zero, 0)
    pltpu.sync_copy(stage_v, acc_sh.at[pl.ds(s * ROWS_PER_TILE, ROWS_PER_TILE)])

    pltpu.sync_copy(xT_hbm.at[pl.ds(s * (IN_F // NS), IN_F // NS)], stage_v)
    pltpu.sync_copy(stage_v, xT_sh.at[pl.ds(s * (IN_F // NS), IN_F // NS)])

    base = wid * chunk
    pltpu.sync_copy(cols_hbm.at[pl.ds(base, chunk)], cols_v)
    pltpu.sync_copy(vals_hbm.at[pl.ds(base, chunk)], vals_v)
    pltpu.sync_copy(rows_hbm.at[wid], rows_v)

    plsc.subcore_barrier()

    def _batch(bi, _):
        for k in range(B // L):
            bcols_v[pl.ds(k * L, L)] = cols_v[pl.ds(bi * B + k * L, L)]
            brows_v[pl.ds(k * L, L)] = rows_v[bi, pl.ds(k * L, L)]

        pltpu.sync_copy(xT_sh.at[bcols_v], gath_v)

        def _scale(k, _):
            vv = vals_v[pl.ds(bi * B + k * L, L)]
            for j in range(L):
                r = k * L + j
                v = vv[j]
                scaled_v[r, pl.ds(0, L)] = gath_v[r, pl.ds(0, L)] * v
                scaled_v[r, pl.ds(L, L)] = gath_v[r, pl.ds(L, L)] * v
            return 0
        lax.fori_loop(0, B // L, _scale, 0)

        pltpu.sync_copy(scaled_v, acc_sh.at[brows_v], add=True)
        return 0
    lax.fori_loop(0, nb, _batch, 0)

    plsc.subcore_barrier()

    pltpu.sync_copy(acc_sh.at[pl.ds(s * ROWS_PER_TILE, ROWS_PER_TILE)], stage_v)
    pltpu.sync_copy(stage_v, out_hbm.at[c, pl.ds(s * ROWS_PER_TILE, ROWS_PER_TILE)])


def _sc_comp(xT, rows2d, cols, vals, nb, chunk):
    mesh = plsc.VectorSubcoreMesh(core_axis_name="c", subcore_axis_name="s")
    body = functools.partial(_comp_body, nb, chunk)
    return pl.kernel(
        body,
        out_type=jax.ShapeDtypeStruct((NC, OUT_F, T), jnp.float32),
        mesh=mesh,
        compiler_params=pltpu.CompilerParams(use_tc_tiling_on_sc=False),
        scratch_types=[
            pltpu.VMEM((ROWS_PER_TILE, T), jnp.float32),
            pltpu.VMEM((chunk,), jnp.int32),
            pltpu.VMEM((chunk,), jnp.float32),
            pltpu.VMEM((nb, B), jnp.int32),
            pltpu.VMEM((B, T), jnp.float32),
            pltpu.VMEM((B, T), jnp.float32),
            pltpu.VMEM((B,), jnp.int32),
            pltpu.VMEM((B,), jnp.int32),
            pltpu.VMEM_SHARED((IN_F, T), jnp.float32),
            pltpu.VMEM_SHARED((OUT_F, T), jnp.float32),
        ],
    )(xT, rows2d, cols, vals)


def _dense_body(x_ref, w_ref, b_ref, o_ref):
    o_ref[...] = lax.dot_general(
        x_ref[...], w_ref[...], (((1,), (1,)), ((), ())),
        preferred_element_type=jnp.float32,
        precision=lax.Precision.HIGHEST) + b_ref[...]


def _tc_dense(x, W, b2d):
    blk = 512
    return pl.pallas_call(
        _dense_body,
        grid=(OUT_F // blk,),
        in_specs=[
            pl.BlockSpec((T, IN_F), lambda i: (0, 0)),
            pl.BlockSpec((blk, IN_F), lambda i: (i, 0)),
            pl.BlockSpec((1, blk), lambda i: (0, i)),
        ],
        out_specs=pl.BlockSpec((T, blk), lambda i: (0, i)),
        out_shape=jax.ShapeDtypeStruct((T, OUT_F), jnp.float32),
    )(x, W, b2d)


def kernel(x, W, b, delta_rows, delta_cols, delta_vals):
    nnz = delta_vals.shape[0]
    chunk = -(-nnz // (NW * B)) * B
    nb = chunk // B
    nnz_pad = NW * chunk
    pad = nnz_pad - nnz
    rows_p = jnp.pad(delta_rows, (0, pad))
    cols_p = jnp.pad(delta_cols, (0, pad))
    vals_p = jnp.pad(delta_vals, (0, pad))

    xT = x.astype(jnp.float32).T
    comp = _sc_comp(xT, rows_p.reshape(NW, nb, B), cols_p, vals_p, nb, chunk)
    dense = _tc_dense(x, W, b.reshape(1, OUT_F))
    return dense + (comp[0] + comp[1]).T

# --- scband reference (transcript-rebuilt; emitter-appended) ---
"""Pipeline reference for scband-compensated-sparse-linear-53566832116289 (READ-ONLY COPY).

The authoritative reference and input builder live on the scoring server;
editing this copy changes nothing except your own understanding.
"""

import jax, jax.numpy as jnp
import numpy as np

IN_F = 4096
OUT_F = 4096
NNZ = 167772
TOKENS = 32

def setup_inputs(seed: int = 0) -> dict:
    key = jax.random.key(seed)
    ks = jax.random.split(key, 6)
    x = jax.random.normal(ks[0], (TOKENS, IN_F), dtype=jnp.float32)
    W = jax.random.normal(ks[1], (OUT_F, IN_F), dtype=jnp.float32) * 0.02
    b = jax.random.normal(ks[2], (OUT_F,), dtype=jnp.float32) * 0.01
    # sparse compensation matrix delta_B [OUT_F, IN_F] in COO form (equivalent to CSR math)
    delta_rows = jax.random.randint(ks[3], (NNZ,), 0, OUT_F, dtype=jnp.int32)
    delta_cols = jax.random.randint(ks[4], (NNZ,), 0, IN_F, dtype=jnp.int32)
    delta_vals = jax.random.normal(ks[5], (NNZ,), dtype=jnp.float32) * 0.01
    return {"x": x, "W": W, "b": b, "delta_rows": delta_rows, "delta_cols": delta_cols, "delta_vals": delta_vals}

def reference(x, W, b, delta_rows, delta_cols, delta_vals):
    # dense path: original (sparse-format) linear layer applied densely
    output_sparse = x @ W.T + b
    # compensation path: (delta_B @ x^T)^T in fp32
    x2d = x.astype(jnp.float32)
    gathered = jnp.take(x2d, delta_cols, axis=1)          # [T, NNZ] gather of input columns
    contrib = (gathered * delta_vals[None, :]).T          # [NNZ, T]
    comp_T = jax.ops.segment_sum(contrib, delta_rows, num_segments=OUT_F)  # [OUT_F, T] scatter-add
    output_compensation = comp_T.T.astype(x.dtype)        # [T, OUT_F]
    return output_sparse + output_compensation

if __name__ == "__main__":
    import jax
    _d = setup_inputs()
    print(jax.jit(kernel)(*tuple(_d.values())))

</pallas_src>

<mosaic_0001>
#map = affine_map<(d0, d1) -> (0, 0)>
#map1 = affine_map<(d0, d1) -> (0, 0, 0)>
#map2 = affine_map<(d0, d1) -> (0)>
module attributes {stable_mosaic.version = 14 : i64} {
  func.func @_comp_body(%arg0: i32, %arg1: i32, %arg2: memref<4096x32xf32, #tpu.memory_space<hbm>>, %arg3: memref<32x41x128xi32, #tpu.memory_space<hbm>>, %arg4: memref<167936xi32, #tpu.memory_space<hbm>>, %arg5: memref<167936xf32, #tpu.memory_space<hbm>>, %arg6: memref<2x4096x32xf32, #tpu.memory_space<hbm>>, %arg7: memref<256x32xf32, #tpu.memory_space<vmem>>, %arg8: memref<5248xi32, #tpu.memory_space<vmem>>, %arg9: memref<5248xf32, #tpu.memory_space<vmem>>, %arg10: memref<41x128xi32, #tpu.memory_space<vmem>>, %arg11: memref<128x32xf32, #tpu.memory_space<vmem>>, %arg12: memref<128x32xf32, #tpu.memory_space<vmem>>, %arg13: memref<128xi32, #tpu.memory_space<vmem>>, %arg14: memref<128xi32, #tpu.memory_space<vmem>>, %arg15: memref<4096x32xf32, #tpu.memory_space<vmem_shared>>, %arg16: memref<4096x32xf32, #tpu.memory_space<vmem_shared>>) attributes {dimension_semantics = [#tpu.dimension_semantics<core_parallel>, #tpu.dimension_semantics<subcore_parallel>], iteration_bounds = array<i64: 2, 16>, scalar_prefetch = 0 : i64, scratch_operands = 10 : i64, tpu.core_type = #tpu.core_type<sc_vector_subcore>, window_params = [{transform_indices = #map}, {transform_indices = #map1}, {transform_indices = #map2}, {transform_indices = #map2}, {transform_indices = #map1}]} {
    %mul3A = arith.constant 16 : i32
    %mul3A_0 = arith.muli %arg0, %mul3A : i32
    %add3A = arith.addi %mul3A_0, %arg1 : i32
    %scan3A = arith.constant 0 : i32
    %scan3A_1 = arith.constant 0 : i32
    %scan3A_2 = arith.constant 256 : i32
    %scan3A_3 = arith.addi %scan3A_1, %scan3A_2 : i32
    %scan3A_4 = arith.constant 1 : i32
    %scan3A_5 = scf.for %scan3A_27 = %scan3A_1 to %scan3A_3 step %scan3A_4 iter_args(%scan3A_28 = %scan3A) -> (i32)  : i32 {
      %broadcast_in_dim3A = arith.constant 0.000000e+00 : f32
      %broadcast_in_dim3A_29 = vector.broadcast %broadcast_in_dim3A : f32 to vector<16xf32>
      %swap3A = arith.index_cast %scan3A_27 : i32 to index
      %swap3A_30 = arith.constant 0 : index
      %swap3A_31 = tpu.vector_load %arg7[%swap3A, %swap3A_30] {strides = array<i32>} : memref<256x32xf32, #tpu.memory_space<vmem>>, vector<1x16xf32>,
      %swap3A_32 = vector.shape_cast %swap3A_31 : vector<1x16xf32> to vector<16xf32>
      %swap3A_33 = vector.shape_cast %broadcast_in_dim3A_29 : vector<16xf32> to vector<1x16xf32>
      tpu.vector_store %arg7[%swap3A, %swap3A_30], %swap3A_33 {strides = array<i32>} : memref<256x32xf32, #tpu.memory_space<vmem>>, vector<1x16xf32>,
      %broadcast_in_dim3A_34 = arith.constant 0.000000e+00 : f32
      %broadcast_in_dim3A_35 = vector.broadcast %broadcast_in_dim3A_34 : f32 to vector<16xf32>
      %swap3A_36 = arith.index_cast %scan3A_27 : i32 to index
      %swap3A_37 = arith.constant 16 : index
      %swap3A_38 = tpu.vector_load %arg7[%swap3A_36, %swap3A_37] {strides = array<i32>} : memref<256x32xf32, #tpu.memory_space<vmem>>, vector<1x16xf32>,
      %swap3A_39 = vector.shape_cast %swap3A_38 : vector<1x16xf32> to vector<16xf32>
      %swap3A_40 = vector.shape_cast %broadcast_in_dim3A_35 : vector<16xf32> to vector<1x16xf32>
      tpu.vector_store %arg7[%swap3A_36, %swap3A_37], %swap3A_40 {strides = array<i32>} : memref<256x32xf32, #tpu.memory_space<vmem>>, vector<1x16xf32>,
      %scan3A_41 = arith.constant 0 : i32
      scf.yield %scan3A_41 : i32
    }
    %scan3A_6 = arith.constant 256 : i32
    %mul3A_7 = arith.constant 256 : i32
    %mul3A_8 = arith.muli %arg1, %mul3A_7 : i32
    "tpu.region"() ({
      %run_scoped3A = tpu.sem_alloc : memref<!tpu.dma_semaphore, #tpu.memory_space<semaphore_mem>>
      %dma_start3A = arith.constant 0 : i32
      %dma_start3A_27 = tpu.memref_slice %arg16[%mul3A_8, %dma_start3A] : memref<4096x32xf32, #tpu.memory_space<vmem_shared>> -> memref<256x32xf32, #tpu.memory_space<vmem_shared>>
      %dma_start3A_28 = arith.constant 0 : i32
      %dma_start3A_29 = tpu.memref_slice %arg16[%mul3A_8, %dma_start3A_28] : memref<4096x32xf32, #tpu.memory_space<vmem_shared>> -> memref<256x32xf32, #tpu.memory_space<vmem_shared>>
      tpu.enqueue_dma source(%arg7 : memref<256x32xf32, #tpu.memory_space<vmem>>) target(%dma_start3A_29 : memref<256x32xf32, #tpu.memory_space<vmem_shared>>) target_semaphore(%run_scoped3A : memref<!tpu.dma_semaphore, #tpu.memory_space<semaphore_mem>>)
      %dma_wait3A = arith.constant 0 : i32
      %dma_wait3A_30 = tpu.memref_slice %arg16[%mul3A_8, %dma_wait3A] : memref<4096x32xf32, #tpu.memory_space<vmem_shared>> -> memref<256x32xf32, #tpu.memory_space<vmem_shared>>
      %dma_wait3A_31 = arith.constant 0 : i32
      %dma_wait3A_32 = tpu.memref_slice %arg16[%mul3A_8, %dma_wait3A_31] : memref<4096x32xf32, #tpu.memory_space<vmem_shared>> -> memref<256x32xf32, #tpu.memory_space<vmem_shared>>
      tpu.wait_dma2 semaphore(%run_scoped3A : memref<!tpu.dma_semaphore, #tpu.memory_space<semaphore_mem>>) src(%arg7 : memref<256x32xf32, #tpu.memory_space<vmem>>) dst(%dma_wait3A_32 : memref<256x32xf32, #tpu.memory_space<vmem_shared>>)
      tpu.yield
    }) : () -> ()
    %mul3A_9 = arith.constant 256 : i32
    %mul3A_10 = arith.muli %arg1, %mul3A_9 : i32
    "tpu.region"() ({
      %run_scoped3A = tpu.sem_alloc : memref<!tpu.dma_semaphore, #tpu.memory_space<semaphore_mem>>
      %dma_start3A = arith.constant 0 : i32
      %dma_start3A_27 = tpu.memref_slice %arg2[%mul3A_10, %dma_start3A] : memref<4096x32xf32, #tpu.memory_space<hbm>> -> memref<256x32xf32, #tpu.memory_space<hbm>>
      %dma_start3A_28 = arith.constant 0 : i32
      %dma_start3A_29 = tpu.memref_slice %arg2[%mul3A_10, %dma_start3A_28] : memref<4096x32xf32, #tpu.memory_space<hbm>> -> memref<256x32xf32, #tpu.memory_space<hbm>>
      tpu.enqueue_dma source(%dma_start3A_29 : memref<256x32xf32, #tpu.memory_space<hbm>>) target(%arg7 : memref<256x32xf32, #tpu.memory_space<vmem>>) target_semaphore(%run_scoped3A : memref<!tpu.dma_semaphore, #tpu.memory_space<semaphore_mem>>)
      %dma_wait3A = arith.constant 0 : i32
      %dma_wait3A_30 = tpu.memref_slice %arg2[%mul3A_10, %dma_wait3A] : memref<4096x32xf32, #tpu.memory_space<hbm>> -> memref<256x32xf32, #tpu.memory_space<hbm>>
      %dma_wait3A_31 = arith.constant 0 : i32
      %dma_wait3A_32 = tpu.memref_slice %arg2[%mul3A_10, %dma_wait3A_31] : memref<4096x32xf32, #tpu.memory_space<hbm>> -> memref<256x32xf32, #tpu.memory_space<hbm>>
      tpu.wait_dma2 semaphore(%run_scoped3A : memref<!tpu.dma_semaphore, #tpu.memory_space<semaphore_mem>>) src(%dma_wait3A_32 : memref<256x32xf32, #tpu.memory_space<hbm>>) dst(%arg7 : memref<256x32xf32, #tpu.memory_space<vmem>>)
      tpu.yield
    }) : () -> ()
    %mul3A_11 = arith.constant 256 : i32
    %mul3A_12 = arith.muli %arg1, %mul3A_11 : i32
    "tpu.region"() ({
      %run_scoped3A = tpu.sem_alloc : memref<!tpu.dma_semaphore, #tpu.memory_space<semaphore_mem>>
      %dma_start3A = arith.constant 0 : i32
      %dma_start3A_27 = tpu.memref_slice %arg15[%mul3A_12, %dma_start3A] : memref<4096x32xf32, #tpu.memory_space<vmem_shared>> -> memref<256x32xf32, #tpu.memory_space<vmem_shared>>
      %dma_start3A_28 = arith.constant 0 : i32
      %dma_start3A_29 = tpu.memref_slice %arg15[%mul3A_12, %dma_start3A_28] : memref<4096x32xf32, #tpu.memory_space<vmem_shared>> -> memref<256x32xf32, #tpu.memory_space<vmem_shared>>
      tpu.enqueue_dma source(%arg7 : memref<256x32xf32, #tpu.memory_space<vmem>>) target(%dma_start3A_29 : memref<256x32xf32, #tpu.memory_space<vmem_shared>>) target_semaphore(%run_scoped3A : memref<!tpu.dma_semaphore, #tpu.memory_space<semaphore_mem>>)
      %dma_wait3A = arith.constant 0 : i32
      %dma_wait3A_30 = tpu.memref_slice %arg15[%mul3A_12, %dma_wait3A] : memref<4096x32xf32, #tpu.memory_space<vmem_shared>> -> memref<256x32xf32, #tpu.memory_space<vmem_shared>>
      %dma_wait3A_31 = arith.constant 0 : i32
      %dma_wait3A_32 = tpu.memref_slice %arg15[%mul3A_12, %dma_wait3A_31] : memref<4096x32xf32, #tpu.memory_space<vmem_shared>> -> memref<256x32xf32, #tpu.memory_space<vmem_shared>>
      tpu.wait_dma2 semaphore(%run_scoped3A : memref<!tpu.dma_semaphore, #tpu.memory_space<semaphore_mem>>) src(%arg7 : memref<256x32xf32, #tpu.memory_space<vmem>>) dst(%dma_wait3A_32 : memref<256x32xf32, #tpu.memory_space<vmem_shared>>)
      tpu.yield
    }) : () -> ()
    %mul3A_13 = arith.constant 5248 : i32
    %mul3A_14 = arith.muli %add3A, %mul3A_13 : i32
    "tpu.region"() ({
      %run_scoped3A = tpu.sem_alloc : memref<!tpu.dma_semaphore, #tpu.memory_space<semaphore_mem>>
      %dma_start3A = tpu.memref_slice %arg4[%mul3A_14] : memref<167936xi32, #tpu.memory_space<hbm>> -> memref<5248xi32, #tpu.memory_space<hbm>>
      %dma_start3A_27 = tpu.memref_slice %arg4[%mul3A_14] : memref<167936xi32, #tpu.memory_space<hbm>> -> memref<5248xi32, #tpu.memory_space<hbm>>
      tpu.enqueue_dma source(%dma_start3A_27 : memref<5248xi32, #tpu.memory_space<hbm>>) target(%arg8 : memref<5248xi32, #tpu.memory_space<vmem>>) target_semaphore(%run_scoped3A : memref<!tpu.dma_semaphore, #tpu.memory_space<semaphore_mem>>)
      %dma_wait3A = tpu.memref_slice %arg4[%mul3A_14] : memref<167936xi32, #tpu.memory_space<hbm>> -> memref<5248xi32, #tpu.memory_space<hbm>>
      %dma_wait3A_28 = tpu.memref_slice %arg4[%mul3A_14] : memref<167936xi32, #tpu.memory_space<hbm>> -> memref<5248xi32, #tpu.memory_space<hbm>>
      tpu.wait_dma2 semaphore(%run_scoped3A : memref<!tpu.dma_semaphore, #tpu.memory_space<semaphore_mem>>) src(%dma_wait3A_28 : memref<5248xi32, #tpu.memory_space<hbm>>) dst(%arg8 : memref<5248xi32, #tpu.memory_space<vmem>>)
      tpu.yield
    }) : () -> ()
    "tpu.region"() ({
      %run_scoped3A = tpu.sem_alloc : memref<!tpu.dma_semaphore, #tpu.memory_space<semaphore_mem>>
      %dma_start3A = tpu.memref_slice %arg5[%mul3A_14] : memref<167936xf32, #tpu.memory_space<hbm>> -> memref<5248xf32, #tpu.memory_space<hbm>>
      %dma_start3A_27 = tpu.memref_slice %arg5[%mul3A_14] : memref<167936xf32, #tpu.memory_space<hbm>> -> memref<5248xf32, #tpu.memory_space<hbm>>
      tpu.enqueue_dma source(%dma_start3A_27 : memref<5248xf32, #tpu.memory_space<hbm>>) target(%arg9 : memref<5248xf32, #tpu.memory_space<vmem>>) target_semaphore(%run_scoped3A : memref<!tpu.dma_semaphore, #tpu.memory_space<semaphore_mem>>)
      %dma_wait3A = tpu.memref_slice %arg5[%mul3A_14] : memref<167936xf32, #tpu.memory_space<hbm>> -> memref<5248xf32, #tpu.memory_space<hbm>>
      %dma_wait3A_28 = tpu.memref_slice %arg5[%mul3A_14] : memref<167936xf32, #tpu.memory_space<hbm>> -> memref<5248xf32, #tpu.memory_space<hbm>>
      tpu.wait_dma2 semaphore(%run_scoped3A : memref<!tpu.dma_semaphore, #tpu.memory_space<semaphore_mem>>) src(%dma_wait3A_28 : memref<5248xf32, #tpu.memory_space<hbm>>) dst(%arg9 : memref<5248xf32, #tpu.memory_space<vmem>>)
      tpu.yield
    }) : () -> ()
    "tpu.region"() ({
      %run_scoped3A = tpu.sem_alloc : memref<!tpu.dma_semaphore, #tpu.memory_space<semaphore_mem>>
      %dma_start3A = arith.constant 0 : i32
      %dma_start3A_27 = arith.constant 0 : i32
      %dma_start3A_28 = tpu.memref_slice %arg3[%add3A, %dma_start3A, %dma_start3A_27] : memref<32x41x128xi32, #tpu.memory_space<hbm>> -> memref<1x41x128xi32, #tpu.memory_space<hbm>>
      %dma_start3A_29 = tpu.memref_squeeze %dma_start3A_28 : memref<1x41x128xi32, #tpu.memory_space<hbm>> -> memref<41x128xi32, #tpu.memory_space<hbm>>
      %dma_start3A_30 = arith.constant 0 : i32
      %dma_start3A_31 = arith.constant 0 : i32
      %dma_start3A_32 = tpu.memref_slice %arg3[%add3A, %dma_start3A_30, %dma_start3A_31] : memref<32x41x128xi32, #tpu.memory_space<hbm>> -> memref<1x41x128xi32, #tpu.memory_space<hbm>>
      %dma_start3A_33 = tpu.memref_squeeze %dma_start3A_32 : memref<1x41x128xi32, #tpu.memory_space<hbm>> -> memref<41x128xi32, #tpu.memory_space<hbm>>
      tpu.enqueue_dma source(%dma_start3A_33 : memref<41x128xi32, #tpu.memory_space<hbm>>) target(%arg10 : memref<41x128xi32, #tpu.memory_space<vmem>>) target_semaphore(%run_scoped3A : memref<!tpu.dma_semaphore, #tpu.memory_space<semaphore_mem>>)
      %dma_wait3A = arith.constant 0 : i32
      %dma_wait3A_34 = arith.constant 0 : i32
      %dma_wait3A_35 = tpu.memref_slice %arg3[%add3A, %dma_wait3A, %dma_wait3A_34] : memref<32x41x128xi32, #tpu.memory_space<hbm>> -> memref<1x41x128xi32, #tpu.memory_space<hbm>>
      %dma_wait3A_36 = tpu.memref_squeeze %dma_wait3A_35 : memref<1x41x128xi32, #tpu.memory_space<hbm>> -> memref<41x128xi32, #tpu.memory_space<hbm>>
      %dma_wait3A_37 = arith.constant 0 : i32
      %dma_wait3A_38 = arith.constant 0 : i32
      %dma_wait3A_39 = tpu.memref_slice %arg3[%add3A, %dma_wait3A_37, %dma_wait3A_38] : memref<32x41x128xi32, #tpu.memory_space<hbm>> -> memref<1x41x128xi32, #tpu.memory_space<hbm>>
      %dma_wait3A_40 = tpu.memref_squeeze %dma_wait3A_39 : memref<1x41x128xi32, #tpu.memory_space<hbm>> -> memref<41x128xi32, #tpu.memory_space<hbm>>
      tpu.wait_dma2 semaphore(%run_scoped3A : memref<!tpu.dma_semaphore, #tpu.memory_space<semaphore_mem>>) src(%dma_wait3A_40 : memref<41x128xi32, #tpu.memory_space<hbm>>) dst(%arg10 : memref<41x128xi32, #tpu.memory_space<vmem>>)
      tpu.yield
    }) : () -> ()
    %barrier3A = arith.constant 0 : index
    tpu.barrier barrier_id(%barrier3A)
    %scan3A_15 = arith.constant 0 : i32
    %scan3A_16 = arith.constant 0 : i32
    %scan3A_17 = arith.constant 41 : i32
    %scan3A_18 = arith.addi %scan3A_16, %scan3A_17 : i32
    %scan3A_19 = arith.constant 1 : i32
    %scan3A_20 = scf.for %scan3A_27 = %scan3A_16 to %scan3A_18 step %scan3A_19 iter_args(%scan3A_28 = %scan3A_15) -> (i32)  : i32 {
      %mul3A_29 = arith.constant 128 : i32
      %mul3A_30 = arith.muli %scan3A_27, %mul3A_29 : i32
      %add3A_31 = arith.constant 0 : i32
      %add3A_32 = arith.addi %mul3A_30, %add3A_31 : i32
      %get3A = arith.index_cast %add3A_32 : i32 to index
      %get3A_33 = tpu.vector_load %arg8[%get3A] {strides = array<i32>} : memref<5248xi32, #tpu.memory_space<vmem>>, vector<16xi32>,
      %get3A_34 = vector.shape_cast %get3A_33 : vector<16xi32> to vector<16xi32>
      %swap3A = arith.constant 0 : index
      %swap3A_35 = tpu.vector_load %arg13[%swap3A] {strides = array<i32>} : memref<128xi32, #tpu.memory_space<vmem>>, vector<16xi32>,
      %swap3A_36 = vector.shape_cast %swap3A_35 : vector<16xi32> to vector<16xi32>
      %swap3A_37 = vector.shape_cast %get3A_34 : vector<16xi32> to vector<16xi32>
      tpu.vector_store %arg13[%swap3A], %swap3A_37 {strides = array<i32>} : memref<128xi32, #tpu.memory_space<vmem>>, vector<16xi32>,
      %get3A_38 = arith.index_cast %scan3A_27 : i32 to index
      %get3A_39 = arith.constant 0 : index
      %get3A_40 = tpu.vector_load %arg10[%get3A_38, %get3A_39] {strides = array<i32>} : memref<41x128xi32, #tpu.memory_space<vmem>>, vector<1x16xi32>,
      %get3A_41 = vector.shape_cast %get3A_40 : vector<1x16xi32> to vector<16xi32>
      %swap3A_42 = arith.constant 0 : index
      %swap3A_43 = tpu.vector_load %arg14[%swap3A_42] {strides = array<i32>} : memref<128xi32, #tpu.memory_space<vmem>>, vector<16xi32>,
      %swap3A_44 = vector.shape_cast %swap3A_43 : vector<16xi32> to vector<16xi32>
      %swap3A_45 = vector.shape_cast %get3A_41 : vector<16xi32> to vector<16xi32>
      tpu.vector_store %arg14[%swap3A_42], %swap3A_45 {strides = array<i32>} : memref<128xi32, #tpu.memory_space<vmem>>, vector<16xi32>,
      %mul3A_46 = arith.constant 128 : i32
      %mul3A_47 = arith.muli %scan3A_27, %mul3A_46 : i32
      %add3A_48 = arith.constant 16 : i32
      %add3A_49 = arith.addi %mul3A_47, %add3A_48 : i32
      %get3A_50 = arith.index_cast %add3A_49 : i32 to index
      %get3A_51 = tpu.vector_load %arg8[%get3A_50] {strides = array<i32>} : memref<5248xi32, #tpu.memory_space<vmem>>, vector<16xi32>,
      %get3A_52 = vector.shape_cast %get3A_51 : vector<16xi32> to vector<16xi32>
      %swap3A_53 = arith.constant 16 : index
      %swap3A_54 = tpu.vector_load %arg13[%swap3A_53] {strides = array<i32>} : memref<128xi32, #tpu.memory_space<vmem>>, vector<16xi32>,
      %swap3A_55 = vector.shape_cast %swap3A_54 : vector<16xi32> to vector<16xi32>
      %swap3A_56 = vector.shape_cast %get3A_52 : vector<16xi32> to vector<16xi32>
      tpu.vector_store %arg13[%swap3A_53], %swap3A_56 {strides = array<i32>} : memref<128xi32, #tpu.memory_space<vmem>>, vector<16xi32>,
      %get3A_57 = arith.index_cast %scan3A_27 : i32 to index
      %get3A_58 = arith.constant 16 : index
      %get3A_59 = tpu.vector_load %arg10[%get3A_57, %get3A_58] {strides = array<i32>} : memref<41x128xi32, #tpu.memory_space<vmem>>, vector<1x16xi32>,
      %get3A_60 = vector.shape_cast %get3A_59 : vector<1x16xi32> to vector<16xi32>
      %swap3A_61 = arith.constant 16 : index
      %swap3A_62 = tpu.vector_load %arg14[%swap3A_61] {strides = array<i32>} : memref<128xi32, #tpu.memory_space<vmem>>, vector<16xi32>,
      %swap3A_63 = vector.shape_cast %swap3A_62 : vector<16xi32> to vector<16xi32>
      %swap3A_64 = vector.shape_cast %get3A_60 : vector<16xi32> to vector<16xi32>
      tpu.vector_store %arg14[%swap3A_61], %swap3A_64 {strides = array<i32>} : memref<128xi32, #tpu.memory_space<vmem>>, vector<16xi32>,
      %mul3A_65 = arith.constant 128 : i32
      %mul3A_66 = arith.muli %scan3A_27, %mul3A_65 : i32
      %add3A_67 = arith.constant 32 : i32
      %add3A_68 = arith.addi %mul3A_66, %add3A_67 : i32
      %get3A_69 = arith.index_cast %add3A_68 : i32 to index
      %get3A_70 = tpu.vector_load %arg8[%get3A_69] {strides = array<i32>} : memref<5248xi32, #tpu.memory_space<vmem>>, vector<16xi32>,
      %get3A_71 = vector.shape_cast %get3A_70 : vector<16xi32> to vector<16xi32>
      %swap3A_72 = arith.constant 32 : index
      %swap3A_73 = tpu.vector_load %arg13[%swap3A_72] {strides = array<i32>} : memref<128xi32, #tpu.memory_space<vmem>>, vector<16xi32>,
      %swap3A_74 = vector.shape_cast %swap3A_73 : vector<16xi32> to vector<16xi32>
      %swap3A_75 = vector.shape_cast %get3A_71 : vector<16xi32> to vector<16xi32>
      tpu.vector_store %arg13[%swap3A_72], %swap3A_75 {strides = array<i32>} : memref<128xi32, #tpu.memory_space<vmem>>, vector<16xi32>,
      %get3A_76 = arith.index_cast %scan3A_27 : i32 to index
      %get3A_77 = arith.constant 32 : index
      %get3A_78 = tpu.vector_load %arg10[%get3A_76, %get3A_77] {strides = array<i32>} : memref<41x128xi32, #tpu.memory_space<vmem>>, vector<1x16xi32>,
      %get3A_79 = vector.shape_cast %get3A_78 : vector<1x16xi32> to vector<16xi32>
      %swap3A_80 = arith.constant 32 : index
      %swap3A_81 = tpu.vector_load %arg14[%swap3A_80] {strides = array<i32>} : memref<128xi32, #tpu.memory_space<vmem>>, vector<16xi32>,
      %swap3A_82 = vector.shape_cast %swap3A_81 : vector<16xi32> to vector<16xi32>
      %swap3A_83 = vector.shape_cast %get3A_79 : vector<16xi32> to vector<16xi32>
      tpu.vector_store %arg14[%swap3A_80], %swap3A_83 {strides = array<i32>} : memref<128xi32, #tpu.memory_space<vmem>>, vector<16xi32>,
      %mul3A_84 = arith.constant 128 : i32
      %mul3A_85 = arith.muli %scan3A_27, %mul3A_84 : i32
      %add3A_86 = arith.constant 48 : i32
      %add3A_87 = arith.addi %mul3A_85, %add3A_86 : i32
      %get3A_88 = arith.index_cast %add3A_87 : i32 to index
      %get3A_89 = tpu.vector_load %arg8[%get3A_88] {strides = array<i32>} : memref<5248xi32, #tpu.memory_space<vmem>>, vector<16xi32>,
      %get3A_90 = vector.shape_cast %get3A_89 : vector<16xi32> to vector<16xi32>
      %swap3A_91 = arith.constant 48 : index
      %swap3A_92 = tpu.vector_load %arg13[%swap3A_91] {strides = array<i32>} : memref<128xi32, #tpu.memory_space<vmem>>, vector<16xi32>,
      %swap3A_93 = vector.shape_cast %swap3A_92 : vector<16xi32> to vector<16xi32>
      %swap3A_94 = vector.shape_cast %get3A_90 : vector<16xi32> to vector<16xi32>
      tpu.vector_store %arg13[%swap3A_91], %swap3A_94 {strides = array<i32>} : memref<128xi32, #tpu.memory_space<vmem>>, vector<16xi32>,
      %get3A_95 = arith.index_cast %scan3A_27 : i32 to index
      %get3A_96 = arith.constant 48 : index
      %get3A_97 = tpu.vector_load %arg10[%get3A_95, %get3A_96] {strides = array<i32>} : memref<41x128xi32, #tpu.memory_space<vmem>>, vector<1x16xi32>,
      %get3A_98 = vector.shape_cast %get3A_97 : vector<1x16xi32> to vector<16xi32>
      %swap3A_99 = arith.constant 48 : index
      %swap3A_100 = tpu.vector_load %arg14[%swap3A_99] {strides = array<i32>} : memref<128xi32, #tpu.memory_space<vmem>>, vector<16xi32>,
      %swap3A_101 = vector.shape_cast %swap3A_100 : vector<16xi32> to vector<16xi32>
      %swap3A_102 = vector.shape_cast %get3A_98 : vector<16xi32> to vector<16xi32>
      tpu.vector_store %arg14[%swap3A_99], %swap3A_102 {strides = array<i32>} : memref<128xi32, #tpu.memory_space<vmem>>, vector<16xi32>,
      %mul3A_103 = arith.constant 128 : i32
      %mul3A_104 = arith.muli %scan3A_27, %mul3A_103 : i32
      %add3A_105 = arith.constant 64 : i32
      %add3A_106 = arith.addi %mul3A_104, %add3A_105 : i32
      %get3A_107 = arith.index_cast %add3A_106 : i32 to index
      %get3A_108 = tpu.vector_load %arg8[%get3A_107] {strides = array<i32>} : memref<5248xi32, #tpu.memory_space<vmem>>, vector<16xi32>,
      %get3A_109 = vector.shape_cast %get3A_108 : vector<16xi32> to vector<16xi32>
      %swap3A_110 = arith.constant 64 : index
      %swap3A_111 = tpu.vector_load %arg13[%swap3A_110] {strides = array<i32>} : memref<128xi32, #tpu.memory_space<vmem>>, vector<16xi32>,
      %swap3A_112 = vector.shape_cast %swap3A_111 : vector<16xi32> to vector<16xi32>
      %swap3A_113 = vector.shape_cast %get3A_109 : vector<16xi32> to vector<16xi32>
      tpu.vector_store %arg13[%swap3A_110], %swap3A_113 {strides = array<i32>} : memref<128xi32, #tpu.memory_space<vmem>>, vector<16xi32>,
      %get3A_114 = arith.index_cast %scan3A_27 : i32 to index
      %get3A_115 = arith.constant 64 : index
      %get3A_116 = tpu.vector_load %arg10[%get3A_114, %get3A_115] {strides = array<i32>} : memref<41x128xi32, #tpu.memory_space<vmem>>, vector<1x16xi32>,
      %get3A_117 = vector.shape_cast %get3A_116 : vector<1x16xi32> to vector<16xi32>
      %swap3A_118 = arith.constant 64 : index
      %swap3A_119 = tpu.vector_load %arg14[%swap3A_118] {strides = array<i32>} : memref<128xi32, #tpu.memory_space<vmem>>, vector<16xi32>,
      %swap3A_120 = vector.shape_cast %swap3A_119 : vector<16xi32> to vector<16xi32>
      %swap3A_121 = vector.shape_cast %get3A_117 : vector<16xi32> to vector<16xi32>
      tpu.vector_store %arg14[%swap3A_118], %swap3A_121 {strides = array<i32>} : memref<128xi32, #tpu.memory_space<vmem>>, vector<16xi32>,
      %mul3A_122 = arith.constant 128 : i32
      %mul3A_123 = arith.muli %scan3A_27, %mul3A_122 : i32
      %add3A_124 = arith.constant 80 : i32
      %add3A_125 = arith.addi %mul3A_123, %add3A_124 : i32
      %get3A_126 = arith.index_cast %add3A_125 : i32 to index
      %get3A_127 = tpu.vector_load %arg8[%get3A_126] {strides = array<i32>} : memref<5248xi32, #tpu.memory_space<vmem>>, vector<16xi32>,
      %get3A_128 = vector.shape_cast %get3A_127 : vector<16xi32> to vector<16xi32>
      %swap3A_129 = arith.constant 80 : index
      %swap3A_130 = tpu.vector_load %arg13[%swap3A_129] {strides = array<i32>} : memref<128xi32, #tpu.memory_space<vmem>>, vector<16xi32>,
      %swap3A_131 = vector.shape_cast %swap3A_130 : vector<16xi32> to vector<16xi32>
      %swap3A_132 = vector.shape_cast %get3A_128 : vector<16xi32> to vector<16xi32>
      tpu.vector_store %arg13[%swap3A_129], %swap3A_132 {strides = array<i32>} : memref<128xi32, #tpu.memory_space<vmem>>, vector<16xi32>,
      %get3A_133 = arith.index_cast %scan3A_27 : i32 to index
      %get3A_134 = arith.constant 80 : index
      %get3A_135 = tpu.vector_load %arg10[%get3A_133, %get3A_134] {strides = array<i32>} : memref<41x128xi32, #tpu.memory_space<vmem>>, vector<1x16xi32>,
      %get3A_136 = vector.shape_cast %get3A_135 : vector<1x16xi32> to vector<16xi32>
      %swap3A_137 = arith.constant 80 : index
      %swap3A_138 = tpu.vector_load %arg14[%swap3A_137] {strides = array<i32>} : memref<128xi32, #tpu.memory_space<vmem>>, vector<16xi32>,
      %swap3A_139 = vector.shape_cast %swap3A_138 : vector<16xi32> to vector<16xi32>
      %swap3A_140 = vector.shape_cast %get3A_136 : vector<16xi32> to vector<16xi32>
      tpu.vector_store %arg14[%swap3A_137], %swap3A_140 {strides = array<i32>} : memref<128xi32, #tpu.memory_space<vmem>>, vector<16xi32>,
      %mul3A_141 = arith.constant 128 : i32
      %mul3A_142 = arith.muli %scan3A_27, %mul3A_141 : i32
      %add3A_143 = arith.constant 96 : i32
      %add3A_144 = arith.addi %mul3A_142, %add3A_143 : i32
      %get3A_145 = arith.index_cast %add3A_144 : i32 to index
      %get3A_146 = tpu.vector_load %arg8[%get3A_145] {strides = array<i32>} : memref<5248xi32, #tpu.memory_space<vmem>>, vector<16xi32>,
      %get3A_147 = vector.shape_cast %get3A_146 : vector<16xi32> to vector<16xi32>
      %swap3A_148 = arith.constant 96 : index
      %swap3A_149 = tpu.vector_load %arg13[%swap3A_148] {strides = array<i32>} : memref<128xi32, #tpu.memory_space<vmem>>, vector<16xi32>,
      %swap3A_150 = vector.shape_cast %swap3A_149 : vector<16xi32> to vector<16xi32>
      %swap3A_151 = vector.shape_cast %get3A_147 : vector<16xi32> to vector<16xi32>
      tpu.vector_store %arg13[%swap3A_148], %swap3A_151 {strides = array<i32>} : memref<128xi32, #tpu.memory_space<vmem>>, vector<16xi32>,
      %get3A_152 = arith.index_cast %scan3A_27 : i32 to index
      %get3A_153 = arith.constant 96 : index
      %get3A_154 = tpu.vector_load %arg10[%get3A_152, %get3A_153] {strides = array<i32>} : memref<41x128xi32, #tpu.memory_space<vmem>>, vector<1x16xi32>,
      %get3A_155 = vector.shape_cast %get3A_154 : vector<1x16xi32> to vector<16xi32>
      %swap3A_156 = arith.constant 96 : index
      %swap3A_157 = tpu.vector_load %arg14[%swap3A_156] {strides = array<i32>} : memref<128xi32, #tpu.memory_space<vmem>>, vector<16xi32>,
      %swap3A_158 = vector.shape_cast %swap3A_157 : vector<16xi32> to vector<16xi32>
      %swap3A_159 = vector.shape_cast %get3A_155 : vector<16xi32> to vector<16xi32>
      tpu.vector_store %arg14[%swap3A_156], %swap3A_159 {strides = array<i32>} : memref<128xi32, #tpu.memory_space<vmem>>, vector<16xi32>,
      %mul3A_160 = arith.constant 128 : i32
      %mul3A_161 = arith.muli %scan3A_27, %mul3A_160 : i32
      %add3A_162 = arith.constant 112 : i32
      %add3A_163 = arith.addi %mul3A_161, %add3A_162 : i32
      %get3A_164 = arith.index_cast %add3A_163 : i32 to index
      %get3A_165 = tpu.vector_load %arg8[%get3A_164] {strides = array<i32>} : memref<5248xi32, #tpu.memory_space<vmem>>, vector<16xi32>,
      %get3A_166 = vector.shape_cast %get3A_165 : vector<16xi32> to vector<16xi32>
      %swap3A_167 = arith.constant 112 : index
      %swap3A_168 = tpu.vector_load %arg13[%swap3A_167] {strides = array<i32>} : memref<128xi32, #tpu.memory_space<vmem>>, vector<16xi32>,
      %swap3A_169 = vector.shape_cast %swap3A_168 : vector<16xi32> to vector<16xi32>
      %swap3A_170 = vector.shape_cast %get3A_166 : vector<16xi32> to vector<16xi32>
      tpu.vector_store %arg13[%swap3A_167], %swap3A_170 {strides = array<i32>} : memref<128xi32, #tpu.memory_space<vmem>>, vector<16xi32>,
      %get3A_171 = arith.index_cast %scan3A_27 : i32 to index
      %get3A_172 = arith.constant 112 : index
      %get3A_173 = tpu.vector_load %arg10[%get3A_171, %get3A_172] {strides = array<i32>} : memref<41x128xi32, #tpu.memory_space<vmem>>, vector<1x16xi32>,
      %get3A_174 = vector.shape_cast %get3A_173 : vector<1x16xi32> to vector<16xi32>
      %swap3A_175 = arith.constant 112 : index
      %swap3A_176 = tpu.vector_load %arg14[%swap3A_175] {strides = array<i32>} : memref<128xi32, #tpu.memory_space<vmem>>, vector<16xi32>,
      %swap3A_177 = vector.shape_cast %swap3A_176 : vector<16xi32> to vector<16xi32>
      %swap3A_178 = vector.shape_cast %get3A_174 : vector<16xi32> to vector<16xi32>
      tpu.vector_store %arg14[%swap3A_175], %swap3A_178 {strides = array<i32>} : memref<128xi32, #tpu.memory_space<vmem>>, vector<16xi32>,
      "tpu.region"() ({
        %run_scoped3A = tpu.sem_alloc : memref<!tpu.dma_semaphore, #tpu.memory_space<semaphore_mem>>
        %dma_start3A = arith.constant 0 : i32
        %dma_start3A_187 = arith.constant 0 : i32
        %dma_start3A_188 = tpu.memref_slice %arg15[%dma_start3A, %dma_start3A_187] : memref<4096x32xf32, #tpu.memory_space<vmem_shared>> -> memref<4096x32xf32, #tpu.memory_space<vmem_shared>>
        tpu.enqueue_indirect_dma source(%dma_start3A_188 : memref<4096x32xf32, #tpu.memory_space<vmem_shared>>) target(%arg11 : memref<128x32xf32, #tpu.memory_space<vmem>>) offsets(%arg13 : memref<128xi32, #tpu.memory_space<vmem>>) semaphore(%run_scoped3A : memref<!tpu.dma_semaphore, #tpu.memory_space<semaphore_mem>>)
        %dma_wait3A = arith.constant 0 : i32
        %dma_wait3A_189 = arith.constant 0 : i32
        %dma_wait3A_190 = tpu.memref_slice %arg15[%dma_wait3A, %dma_wait3A_189] : memref<4096x32xf32, #tpu.memory_space<vmem_shared>> -> memref<4096x32xf32, #tpu.memory_space<vmem_shared>>
        tpu.wait_indirect_dma semaphore(%run_scoped3A : memref<!tpu.dma_semaphore, #tpu.memory_space<semaphore_mem>>) src(%dma_wait3A_190 : memref<4096x32xf32, #tpu.memory_space<vmem_shared>>) dst(%arg11 : memref<128x32xf32, #tpu.memory_space<vmem>>)
        tpu.yield
      }) : () -> ()
      %scan3A_179 = arith.constant 0 : i32
      %scan3A_180 = arith.constant 0 : i32
      %scan3A_181 = arith.constant 8 : i32
      %scan3A_182 = arith.addi %scan3A_180, %scan3A_181 : i32
      %scan3A_183 = arith.constant 1 : i32
      %scan3A_184 = scf.for %scan3A_187 = %scan3A_180 to %scan3A_182 step %scan3A_183 iter_args(%scan3A_188 = %scan3A_179) -> (i32)  : i32 {
        %mul3A_189 = arith.constant 128 : i32
        %mul3A_190 = arith.muli %scan3A_27, %mul3A_189 : i32
        %mul3A_191 = arith.constant 16 : i32
        %mul3A_192 = arith.muli %scan3A_187, %mul3A_191 : i32
        %add3A_193 = arith.addi %mul3A_190, %mul3A_192 : i32
        %get3A_194 = arith.index_cast %add3A_193 : i32 to index
        %get3A_195 = tpu.vector_load %arg9[%get3A_194] {strides = array<i32>} : memref<5248xf32, #tpu.memory_space<vmem>>, vector<16xf32>,
        %get3A_196 = vector.shape_cast %get3A_195 : vector<16xf32> to vector<16xf32>
        %mul3A_197 = arith.constant 16 : i32
        %mul3A_198 = arith.muli %scan3A_187, %mul3A_197 : i32
        %add3A_199 = arith.constant 0 : i32
        %add3A_200 = arith.addi %mul3A_198, %add3A_199 : i32
        %slice3A = vector.extract_strided_slice %get3A_196 {offsets = [0], sizes = [1], strides = [1]} : vector<16xf32> to vector<1xf32>
        %squeeze3A = vector.extract %slice3A[0] : f32 from vector<1xf32>
        %get3A_201 = arith.index_cast %add3A_200 : i32 to index
        %get3A_202 = arith.constant 0 : index
        %get3A_203 = tpu.vector_load %arg11[%get3A_201, %get3A_202] {strides = array<i32>} : memref<128x32xf32, #tpu.memory_space<vmem>>, vector<1x16xf32>,
        %get3A_204 = vector.shape_cast %get3A_203 : vector<1x16xf32> to vector<16xf32>
        %mul3A_205 = vector.broadcast %squeeze3A : f32 to vector<16xf32>
        %mul3A_206 = arith.mulf %get3A_204, %mul3A_205 : vector<16xf32>
        %swap3A_207 = arith.index_cast %add3A_200 : i32 to index
        %swap3A_208 = arith.constant 0 : index
        %swap3A_209 = tpu.vector_load %arg12[%swap3A_207, %swap3A_208] {strides = array<i32>} : memref<128x32xf32, #tpu.memory_space<vmem>>, vector<1x16xf32>,
        %swap3A_210 = vector.shape_cast %swap3A_209 : vector<1x16xf32> to vector<16xf32>
        %swap3A_211 = vector.shape_cast %mul3A_206 : vector<16xf32> to vector<1x16xf32>
        tpu.vector_store %arg12[%swap3A_207, %swap3A_208], %swap3A_211 {strides = array<i32>} : memref<128x32xf32, #tpu.memory_space<vmem>>, vector<1x16xf32>,
        %get3A_212 = arith.index_cast %add3A_200 : i32 to index
        %get3A_213 = arith.constant 16 : index
        %get3A_214 = tpu.vector_load %arg11[%get3A_212, %get3A_213] {strides = array<i32>} : memref<128x32xf32, #tpu.memory_space<vmem>>, vector<1x16xf32>,
        %get3A_215 = vector.shape_cast %get3A_214 : vector<1x16xf32> to vector<16xf32>
        %mul3A_216 = vector.broadcast %squeeze3A : f32 to vector<16xf32>
        %mul3A_217 = arith.mulf %get3A_215, %mul3A_216 : vector<16xf32>
        %swap3A_218 = arith.index_cast %add3A_200 : i32 to index
        %swap3A_219 = arith.constant 16 : index
        %swap3A_220 = tpu.vector_load %arg12[%swap3A_218, %swap3A_219] {strides = array<i32>} : memref<128x32xf32, #tpu.memory_space<vmem>>, vector<1x16xf32>,
        %swap3A_221 = vector.shape_cast %swap3A_220 : vector<1x16xf32> to vector<16xf32>
        %swap3A_222 = vector.shape_cast %mul3A_217 : vector<16xf32> to vector<1x16xf32>
        tpu.vector_store %arg12[%swap3A_218, %swap3A_219], %swap3A_222 {strides = array<i32>} : memref<128x32xf32, #tpu.memory_space<vmem>>, vector<1x16xf32>,
        %mul3A_223 = arith.constant 16 : i32
        %mul3A_224 = arith.muli %scan3A_187, %mul3A_223 : i32
        %add3A_225 = arith.constant 1 : i32
        %add3A_226 = arith.addi %mul3A_224, %add3A_225 : i32
        %slice3A_227 = vector.extract_strided_slice %get3A_196 {offsets = [1], sizes = [1], strides = [1]} : vector<16xf32> to vector<1xf32>
        %squeeze3A_228 = vector.extract %slice3A_227[0] : f32 from vector<1xf32>
        %get3A_229 = arith.index_cast %add3A_226 : i32 to index
        %get3A_230 = arith.constant 0 : index
        %get3A_231 = tpu.vector_load %arg11[%get3A_229, %get3A_230] {strides = array<i32>} : memref<128x32xf32, #tpu.memory_space<vmem>>, vector<1x16xf32>,
        %get3A_232 = vector.shape_cast %get3A_231 : vector<1x16xf32> to vector<16xf32>
        %mul3A_233 = vector.broadcast %squeeze3A_228 : f32 to vector<16xf32>
        %mul3A_234 = arith.mulf %get3A_232, %mul3A_233 : vector<16xf32>
        %swap3A_235 = arith.index_cast %add3A_226 : i32 to index
        %swap3A_236 = arith.constant 0 : index
        %swap3A_237 = tpu.vector_load %arg12[%swap3A_235, %swap3A_236] {strides = array<i32>} : memref<128x32xf32, #tpu.memory_space<vmem>>, vector<1x16xf32>,
        %swap3A_238 = vector.shape_cast %swap3A_237 : vector<1x16xf32> to vector<16xf32>
        %swap3A_239 = vector.shape_cast %mul3A_234 : vector<16xf32> to vector<1x16xf32>
        tpu.vector_store %arg12[%swap3A_235, %swap3A_236], %swap3A_239 {strides = array<i32>} : memref<128x32xf32, #tpu.memory_space<vmem>>, vector<1x16xf32>,
        %get3A_240 = arith.index_cast %add3A_226 : i32 to index
        %get3A_241 = arith.constant 16 : index
        %get3A_242 = tpu.vector_load %arg11[%get3A_240, %get3A_241] {strides = array<i32>} : memref<128x32xf32, #tpu.memory_space<vmem>>, vector<1x16xf32>,
        %get3A_243 = vector.shape_cast %get3A_242 : vector<1x16xf32> to vector<16xf32>
        %mul3A_244 = vector.broadcast %squeeze3A_228 : f32 to vector<16xf32>
        %mul3A_245 = arith.mulf %get3A_243, %mul3A_244 : vector<16xf32>
        %swap3A_246 = arith.index_cast %add3A_226 : i32 to index
        %swap3A_247 = arith.constant 16 : index
        %swap3A_248 = tpu.vector_load %arg12[%swap3A_246, %swap3A_247] {strides = array<i32>} : memref<128x32xf32, #tpu.memory_space<vmem>>, vector<1x16xf32>,
        %swap3A_249 = vector.shape_cast %swap3A_248 : vector<1x16xf32> to vector<16xf32>
        %swap3A_250 = vector.shape_cast %mul3A_245 : vector<16xf32> to vector<1x16xf32>
        tpu.vector_store %arg12[%swap3A_246, %swap3A_247], %swap3A_250 {strides = array<i32>} : memref<128x32xf32, #tpu.memory_space<vmem>>, vector<1x16xf32>,
        %mul3A_251 = arith.constant 16 : i32
        %mul3A_252 = arith.muli %scan3A_187, %mul3A_251 : i32
        %add3A_253 = arith.constant 2 : i32
        %add3A_254 = arith.addi %mul3A_252, %add3A_253 : i32
        %slice3A_255 = vector.extract_strided_slice %get3A_196 {offsets = [2], sizes = [1], strides = [1]} : vector<16xf32> to vector<1xf32>
        %squeeze3A_256 = vector.extract %slice3A_255[0] : f32 from vector<1xf32>
        %get3A_257 = arith.index_cast %add3A_254 : i32 to index
        %get3A_258 = arith.constant 0 : index
        %get3A_259 = tpu.vector_load %arg11[%get3A_257, %get3A_258] {strides = array<i32>} : memref<128x32xf32, #tpu.memory_space<vmem>>, vector<1x16xf32>,
        %get3A_260 = vector.shape_cast %get3A_259 : vector<1x16xf32> to vector<16xf32>
        %mul3A_261 = vector.broadcast %squeeze3A_256 : f32 to vector<16xf32>
        %mul3A_262 = arith.mulf %get3A_260, %mul3A_261 : vector<16xf32>
        %swap3A_263 = arith.index_cast %add3A_254 : i32 to index
        %swap3A_264 = arith.constant 0 : index
        %swap3A_265 = tpu.vector_load %arg12[%swap3A_263, %swap3A_264] {strides = array<i32>} : memref<128x32xf32, #tpu.memory_space<vmem>>, vector<1x16xf32>,
        %swap3A_266 = vector.shape_cast %swap3A_265 : vector<1x16xf32> to vector<16xf32>
        %swap3A_267 = vector.shape_cast %mul3A_262 : vector<16xf32> to vector<1x16xf32>
        tpu.vector_store %arg12[%swap3A_263, %swap3A_264], %swap3A_267 {strides = array<i32>} : memref<128x32xf32, #tpu.memory_space<vmem>>, vector<1x16xf32>,
        %get3A_268 = arith.index_cast %add3A_254 : i32 to index
        %get3A_269 = arith.constant 16 : index
        %get3A_270 = tpu.vector_load %arg11[%get3A_268, %get3A_269] {strides = array<i32>} : memref<128x32xf32, #tpu.memory_space<vmem>>, vector<1x16xf32>,
        %get3A_271 = vector.shape_cast %get3A_270 : vector<1x16xf32> to vector<16xf32>
        %mul3A_272 = vector.broadcast %squeeze3A_256 : f32 to vector<16xf32>
        %mul3A_273 = arith.mulf %get3A_271, %mul3A_272 : vector<16xf32>
        %swap3A_274 = arith.index_cast %add3A_254 : i32 to index
        %swap3A_275 = arith.constant 16 : index
        %swap3A_276 = tpu.vector_load %arg12[%swap3A_274, %swap3A_275] {strides = array<i32>} : memref<128x32xf32, #tpu.memory_space<vmem>>, vector<1x16xf32>,
        %swap3A_277 = vector.shape_cast %swap3A_276 : vector<1x16xf32> to vector<16xf32>
        %swap3A_278 = vector.shape_cast %mul3A_273 : vector<16xf32> to vector<1x16xf32>
        tpu.vector_store %arg12[%swap3A_274, %swap3A_275], %swap3A_278 {strides = array<i32>} : memref<128x32xf32, #tpu.memory_space<vmem>>, vector<1x16xf32>,
        %mul3A_279 = arith.constant 16 : i32
        %mul3A_280 = arith.muli %scan3A_187, %mul3A_279 : i32
        %add3A_281 = arith.constant 3 : i32
        %add3A_282 = arith.addi %mul3A_280, %add3A_281 : i32
        %slice3A_283 = vector.extract_strided_slice %get3A_196 {offsets = [3], sizes = [1], strides = [1]} : vector<16xf32> to vector<1xf32>
        %squeeze3A_284 = vector.extract %slice3A_283[0] : f32 from vector<1xf32>
        %get3A_285 = arith.index_cast %add3A_282 : i32 to index
        %get3A_286 = arith.constant 0 : index
        %get3A_287 = tpu.vector_load %arg11[%get3A_285, %get3A_286] {strides = array<i32>} : memref<128x32xf32, #tpu.memory_space<vmem>>, vector<1x16xf32>,
        %get3A_288 = vector.shape_cast %get3A_287 : vector<1x16xf32> to vector<16xf32>
        %mul3A_289 = vector.broadcast %squeeze3A_284 : f32 to vector<16xf32>
        %mul3A_290 = arith.mulf %get3A_288, %mul3A_289 : vector<16xf32>
        %swap3A_291 = arith.index_cast %add3A_282 : i32 to index
        %swap3A_292 = arith.constant 0 : index
        %swap3A_293 = tpu.vector_load %arg12[%swap3A_291, %swap3A_292] {strides = array<i32>} : memref<128x32xf32, #tpu.memory_space<vmem>>, vector<1x16xf32>,
        %swap3A_294 = vector.shape_cast %swap3A_293 : vector<1x16xf32> to vector<16xf32>
        %swap3A_295 = vector.shape_cast %mul3A_290 : vector<16xf32> to vector<1x16xf32>
        tpu.vector_store %arg12[%swap3A_291, %swap3A_292], %swap3A_295 {strides = array<i32>} : memref<128x32xf32, #tpu.memory_space<vmem>>, vector<1x16xf32>,
        %get3A_296 = arith.index_cast %add3A_282 : i32 to index
        %get3A_297 = arith.constant 16 : index
        %get3A_298 = tpu.vector_load %arg11[%get3A_296, %get3A_297] {strides = array<i32>} : memref<128x32xf32, #tpu.memory_space<vmem>>, vector<1x16xf32>,
        %get3A_299 = vector.shape_cast %get3A_298 : vector<1x16xf32> to vector<16xf32>
        %mul3A_300 = vector.broadcast %squeeze3A_284 : f32 to vector<16xf32>
        %mul3A_301 = arith.mulf %get3A_299, %mul3A_300 : vector<16xf32>
        %swap3A_302 = arith.index_cast %add3A_282 : i32 to index
        %swap3A_303 = arith.constant 16 : index
        %swap3A_304 = tpu.vector_load %arg12[%swap3A_302, %swap3A_303] {strides = array<i32>} : memref<128x32xf32, #tpu.memory_space<vmem>>, vector<1x16xf32>,
        %swap3A_305 = vector.shape_cast %swap3A_304 : vector<1x16xf32> to vector<16xf32>
        %swap3A_306 = vector.shape_cast %mul3A_301 : vector<16xf32> to vector<1x16xf32>
        tpu.vector_store %arg12[%swap3A_302, %swap3A_303], %swap3A_306 {strides = array<i32>} : memref<128x32xf32, #tpu.memory_space<vmem>>, vector<1x16xf32>,
        %mul3A_307 = arith.constant 16 : i32
        %mul3A_308 = arith.muli %scan3A_187, %mul3A_307 : i32
        %add3A_309 = arith.constant 4 : i32
        %add3A_310 = arith.addi %mul3A_308, %add3A_309 : i32
        %slice3A_311 = vector.extract_strided_slice %get3A_196 {offsets = [4], sizes = [1], strides = [1]} : vector<16xf32> to vector<1xf32>
        %squeeze3A_312 = vector.extract %slice3A_311[0] : f32 from vector<1xf32>
        %get3A_313 = arith.index_cast %add3A_310 : i32 to index
        %get3A_314 = arith.constant 0 : index
        %get3A_315 = tpu.vector_load %arg11[%get3A_313, %get3A_314] {strides = array<i32>} : memref<128x32xf32, #tpu.memory_space<vmem>>, vector<1x16xf32>,
        %get3A_316 = vector.shape_cast %get3A_315 : vector<1x16xf32> to vector<16xf32>
        %mul3A_317 = vector.broadcast %squeeze3A_312 : f32 to vector<16xf32>
        %mul3A_318 = arith.mulf %get3A_316, %mul3A_317 : vector<16xf32>
        %swap3A_319 = arith.index_cast %add3A_310 : i32 to index
        %swap3A_320 = arith.constant 0 : index
        %swap3A_321 = tpu.vector_load %arg12[%swap3A_319, %swap3A_320] {strides = array<i32>} : memref<128x32xf32, #tpu.memory_space<vmem>>, vector<1x16xf32>,
        %swap3A_322 = vector.shape_cast %swap3A_321 : vector<1x16xf32> to vector<16xf32>
        %swap3A_323 = vector.shape_cast %mul3A_318 : vector<16xf32> to vector<1x16xf32>
        tpu.vector_store %arg12[%swap3A_319, %swap3A_320], %swap3A_323 {strides = array<i32>} : memref<128x32xf32, #tpu.memory_space<vmem>>, vector<1x16xf32>,
        %get3A_324 = arith.index_cast %add3A_310 : i32 to index
        %get3A_325 = arith.constant 16 : index
        %get3A_326 = tpu.vector_load %arg11[%get3A_324, %get3A_325] {strides = array<i32>} : memref<128x32xf32, #tpu.memory_space<vmem>>, vector<1x16xf32>,
        %get3A_327 = vector.shape_cast %get3A_326 : vector<1x16xf32> to vector<16xf32>
        %mul3A_328 = vector.broadcast %squeeze3A_312 : f32 to vector<16xf32>
        %mul3A_329 = arith.mulf %get3A_327, %mul3A_328 : vector<16xf32>
        %swap3A_330 = arith.index_cast %add3A_310 : i32 to index
        %swap3A_331 = arith.constant 16 : index
        %swap3A_332 = tpu.vector_load %arg12[%swap3A_330, %swap3A_331] {strides = array<i32>} : memref<128x32xf32, #tpu.memory_space<vmem>>, vector<1x16xf32>,
        %swap3A_333 = vector.shape_cast %swap3A_332 : vector<1x16xf32> to vector<16xf32>
        %swap3A_334 = vector.shape_cast %mul3A_329 : vector<16xf32> to vector<1x16xf32>
        tpu.vector_store %arg12[%swap3A_330, %swap3A_331], %swap3A_334 {strides = array<i32>} : memref<128x32xf32, #tpu.memory_space<vmem>>, vector<1x16xf32>,
        %mul3A_335 = arith.constant 16 : i32
        %mul3A_336 = arith.muli %scan3A_187, %mul3A_335 : i32
        %add3A_337 = arith.constant 5 : i32
        %add3A_338 = arith.addi %mul3A_336, %add3A_337 : i32
        %slice3A_339 = vector.extract_strided_slice %get3A_196 {offsets = [5], sizes = [1], strides = [1]} : vector<16xf32> to vector<1xf32>
        %squeeze3A_340 = vector.extract %slice3A_339[0] : f32 from vector<1xf32>
        %get3A_341 = arith.index_cast %add3A_338 : i32 to index
        %get3A_342 = arith.constant 0 : index
        %get3A_343 = tpu.vector_load %arg11[%get3A_341, %get3A_342] {strides = array<i32>} : memref<128x32xf32, #tpu.memory_space<vmem>>, vector<1x16xf32>,
        %get3A_344 = vector.shape_cast %get3A_343 : vector<1x16xf32> to vector<16xf32>
        %mul3A_345 = vector.broadcast %squeeze3A_340 : f32 to vector<16xf32>
        %mul3A_346 = arith.mulf %get3A_344, %mul3A_345 : vector<16xf32>
        %swap3A_347 = arith.index_cast %add3A_338 : i32 to index
        %swap3A_348 = arith.constant 0 : index
        %swap3A_349 = tpu.vector_load %arg12[%swap3A_347, %swap3A_348] {strides = array<i32>} : memref<128x32xf32, #tpu.memory_space<vmem>>, vector<1x16xf32>,
        %swap3A_350 = vector.shape_cast %swap3A_349 : vector<1x16xf32> to vector<16xf32>
        %swap3A_351 = vector.shape_cast %mul3A_346 : vector<16xf32> to vector<1x16xf32>
        tpu.vector_store %arg12[%swap3A_347, %swap3A_348], %swap3A_351 {strides = array<i32>} : memref<128x32xf32, #tpu.memory_space<vmem>>, vector<1x16xf32>,
        %get3A_352 = arith.index_cast %add3A_338 : i32 to index
        %get3A_353 = arith.constant 16 : index
        %get3A_354 = tpu.vector_load %arg11[%get3A_352, %get3A_353] {strides = array<i32>} : memref<128x32xf32, #tpu.memory_space<vmem>>, vector<1x16xf32>,
        %get3A_355 = vector.shape_cast %get3A_354 : vector<1x16xf32> to vector<16xf32>
        %mul3A_356 = vector.broadcast %squeeze3A_340 : f32 to vector<16xf32>
        %mul3A_357 = arith.mulf %get3A_355, %mul3A_356 : vector<16xf32>
        %swap3A_358 = arith.index_cast %add3A_338 : i32 to index
        %swap3A_359 = arith.constant 16 : index
        %swap3A_360 = tpu.vector_load %arg12[%swap3A_358, %swap3A_359] {strides = array<i32>} : memref<128x32xf32, #tpu.memory_space<vmem>>, vector<1x16xf32>,
        %swap3A_361 = vector.shape_cast %swap3A_360 : vector<1x16xf32> to vector<16xf32>
        %swap3A_362 = vector.shape_cast %mul3A_357 : vector<16xf32> to vector<1x16xf32>
        tpu.vector_store %arg12[%swap3A_358, %swap3A_359], %swap3A_362 {strides = array<i32>} : memref<128x32xf32, #tpu.memory_space<vmem>>, vector<1x16xf32>,
        %mul3A_363 = arith.constant 16 : i32
        %mul3A_364 = arith.muli %scan3A_187, %mul3A_363 : i32
        %add3A_365 = arith.constant 6 : i32
        %add3A_366 = arith.addi %mul3A_364, %add3A_365 : i32
        %slice3A_367 = vector.extract_strided_slice %get3A_196 {offsets = [6], sizes = [1], strides = [1]} : vector<16xf32> to vector<1xf32>
        %squeeze3A_368 = vector.extract %slice3A_367[0] : f32 from vector<1xf32>
        %get3A_369 = arith.index_cast %add3A_366 : i32 to index
        %get3A_370 = arith.constant 0 : index
        %get3A_371 = tpu.vector_load %arg11[%get3A_369, %get3A_370] {strides = array<i32>} : memref<128x32xf32, #tpu.memory_space<vmem>>, vector<1x16xf32>,
        %get3A_372 = vector.shape_cast %get3A_371 : vector<1x16xf32> to vector<16xf32>
        %mul3A_373 = vector.broadcast %squeeze3A_368 : f32 to vector<16xf32>
        %mul3A_374 = arith.mulf %get3A_372, %mul3A_373 : vector<16xf32>
        %swap3A_375 = arith.index_cast %add3A_366 : i32 to index
        %swap3A_376 = arith.constant 0 : index
        %swap3A_377 = tpu.vector_load %arg12[%swap3A_375, %swap3A_376] {strides = array<i32>} : memref<128x32xf32, #tpu.memory_space<vmem>>, vector<1x16xf32>,
        %swap3A_378 = vector.shape_cast %swap3A_377 : vector<1x16xf32> to vector<16xf32>
        %swap3A_379 = vector.shape_cast %mul3A_374 : vector<16xf32> to vector<1x16xf32>
        tpu.vector_store %arg12[%swap3A_375, %swap3A_376], %swap3A_379 {strides = array<i32>} : memref<128x32xf32, #tpu.memory_space<vmem>>, vector<1x16xf32>,
        %get3A_380 = arith.index_cast %add3A_366 : i32 to index
        %get3A_381 = arith.constant 16 : index
        %get3A_382 = tpu.vector_load %arg11[%get3A_380, %get3A_381] {strides = array<i32>} : memref<128x32xf32, #tpu.memory_space<vmem>>, vector<1x16xf32>,
        %get3A_383 = vector.shape_cast %get3A_382 : vector<1x16xf32> to vector<16xf32>
        %mul3A_384 = vector.broadcast %squeeze3A_368 : f32 to vector<16xf32>
        %mul3A_385 = arith.mulf %get3A_383, %mul3A_384 : vector<16xf32>
        %swap3A_386 = arith.index_cast %add3A_366 : i32 to index
        %swap3A_387 = arith.constant 16 : index
        %swap3A_388 = tpu.vector_load %arg12[%swap3A_386, %swap3A_387] {strides = array<i32>} : memref<128x32xf32, #tpu.memory_space<vmem>>, vector<1x16xf32>,
        %swap3A_389 = vector.shape_cast %swap3A_388 : vector<1x16xf32> to vector<16xf32>
        %swap3A_390 = vector.shape_cast %mul3A_385 : vector<16xf32> to vector<1x16xf32>
        tpu.vector_store %arg12[%swap3A_386, %swap3A_387], %swap3A_390 {strides = array<i32>} : memref<128x32xf32, #tpu.memory_space<vmem>>, vector<1x16xf32>,
        %mul3A_391 = arith.constant 16 : i32
        %mul3A_392 = arith.muli %scan3A_187, %mul3A_391 : i32
        %add3A_393 = arith.constant 7 : i32
        %add3A_394 = arith.addi %mul3A_392, %add3A_393 : i32
        %slice3A_395 = vector.extract_strided_slice %get3A_196 {offsets = [7], sizes = [1], strides = [1]} : vector<16xf32> to vector<1xf32>
        %squeeze3A_396 = vector.extract %slice3A_395[0] : f32 from vector<1xf32>
        %get3A_397 = arith.index_cast %add3A_394 : i32 to index
        %get3A_398 = arith.constant 0 : index
        %get3A_399 = tpu.vector_load %arg11[%get3A_397, %get3A_398] {strides = array<i32>} : memref<128x32xf32, #tpu.memory_space<vmem>>, vector<1x16xf32>,
        %get3A_400 = vector.shape_cast %get3A_399 : vector<1x16xf32> to vector<16xf32>
        %mul3A_401 = vector.broadcast %squeeze3A_396 : f32 to vector<16xf32>
        %mul3A_402 = arith.mulf %get3A_400, %mul3A_401 : vector<16xf32>
        %swap3A_403 = arith.index_cast %add3A_394 : i32 to index
        %swap3A_404 = arith.constant 0 : index
        %swap3A_405 = tpu.vector_load %arg12[%swap3A_403, %swap3A_404] {strides = array<i32>} : memref<128x32xf32, #tpu.memory_space<vmem>>, vector<1x16xf32>,
        %swap3A_406 = vector.shape_cast %swap3A_405 : vector<1x16xf32> to vector<16xf32>
        %swap3A_407 = vector.shape_cast %mul3A_402 : vector<16xf32> to vector<1x16xf32>
        tpu.vector_store %arg12[%swap3A_403, %swap3A_404], %swap3A_407 {strides = array<i32>} : memref<128x32xf32, #tpu.memory_space<vmem>>, vector<1x16xf32>,
        %get3A_408 = arith.index_cast %add3A_394 : i32 to index
        %get3A_409 = arith.constant 16 : index
        %get3A_410 = tpu.vector_load %arg11[%get3A_408, %get3A_409] {strides = array<i32>} : memref<128x32xf32, #tpu.memory_space<vmem>>, vector<1x16xf32>,
        %get3A_411 = vector.shape_cast %get3A_410 : vector<1x16xf32> to vector<16xf32>
        %mul3A_412 = vector.broadcast %squeeze3A_396 : f32 to vector<16xf32>
        %mul3A_413 = arith.mulf %get3A_411, %mul3A_412 : vector<16xf32>
        %swap3A_414 = arith.index_cast %add3A_394 : i32 to index
        %swap3A_415 = arith.constant 16 : index
        %swap3A_416 = tpu.vector_load %arg12[%swap3A_414, %swap3A_415] {strides = array<i32>} : memref<128x32xf32, #tpu.memory_space<vmem>>, vector<1x16xf32>,
        %swap3A_417 = vector.shape_cast %swap3A_416 : vector<1x16xf32> to vector<16xf32>
        %swap3A_418 = vector.shape_cast %mul3A_413 : vector<16xf32> to vector<1x16xf32>
        tpu.vector_store %arg12[%swap3A_414, %swap3A_415], %swap3A_418 {strides = array<i32>} : memref<128x32xf32, #tpu.memory_space<vmem>>, vector<1x16xf32>,
        %mul3A_419 = arith.constant 16 : i32
        %mul3A_420 = arith.muli %scan3A_187, %mul3A_419 : i32
        %add3A_421 = arith.constant 8 : i32
        %add3A_422 = arith.addi %mul3A_420, %add3A_421 : i32
        %slice3A_423 = vector.extract_strided_slice %get3A_196 {offsets = [8], sizes = [1], strides = [1]} : vector<16xf32> to vector<1xf32>
        %squeeze3A_424 = vector.extract %slice3A_423[0] : f32 from vector<1xf32>
        %get3A_425 = arith.index_cast %add3A_422 : i32 to index
        %get3A_426 = arith.constant 0 : index
        %get3A_427 = tpu.vector_load %arg11[%get3A_425, %get3A_426] {strides = array<i32>} : memref<128x32xf32, #tpu.memory_space<vmem>>, vector<1x16xf32>,
        %get3A_428 = vector.shape_cast %get3A_427 : vector<1x16xf32> to vector<16xf32>
        %mul3A_429 = vector.broadcast %squeeze3A_424 : f32 to vector<16xf32>
        %mul3A_430 = arith.mulf %get3A_428, %mul3A_429 : vector<16xf32>
        %swap3A_431 = arith.index_cast %add3A_422 : i32 to index
        %swap3A_432 = arith.constant 0 : index
        %swap3A_433 = tpu.vector_load %arg12[%swap3A_431, %swap3A_432] {strides = array<i32>} : memref<128x32xf32, #tpu.memory_space<vmem>>, vector<1x16xf32>,
        %swap3A_434 = vector.shape_cast %swap3A_433 : vector<1x16xf32> to vector<16xf32>
        %swap3A_435 = vector.shape_cast %mul3A_430 : vector<16xf32> to vector<1x16xf32>
        tpu.vector_store %arg12[%swap3A_431, %swap3A_432], %swap3A_435 {strides = array<i32>} : memref<128x32xf32, #tpu.memory_space<vmem>>, vector<1x16xf32>,
        %get3A_436 = arith.index_cast %add3A_422 : i32 to index
        %get3A_437 = arith.constant 16 : index
        %get3A_438 = tpu.vector_load %arg11[%get3A_436, %get3A_437] {strides = array<i32>} : memref<128x32xf32, #tpu.memory_space<vmem>>, vector<1x16xf32>,
        %get3A_439 = vector.shape_cast %get3A_438 : vector<1x16xf32> to vector<16xf32>
        %mul3A_440 = vector.broadcast %squeeze3A_424 : f32 to vector<16xf32>
        %mul3A_441 = arith.mulf %get3A_439, %mul3A_440 : vector<16xf32>
        %swap3A_442 = arith.index_cast %add3A_422 : i32 to index
        %swap3A_443 = arith.constant 16 : index
        %swap3A_444 = tpu.vector_load %arg12[%swap3A_442, %swap3A_443] {strides = array<i32>} : memref<128x32xf32, #tpu.memory_space<vmem>>, vector<1x16xf32>,
        %swap3A_445 = vector.shape_cast %swap3A_444 : vector<1x16xf32> to vector<16xf32>
        %swap3A_446 = vector.shape_cast %mul3A_441 : vector<16xf32> to vector<1x16xf32>
        tpu.vector_store %arg12[%swap3A_442, %swap3A_443], %swap3A_446 {strides = array<i32>} : memref<128x32xf32, #tpu.memory_space<vmem>>, vector<1x16xf32>,
        %mul3A_447 = arith.constant 16 : i32
        %mul3A_448 = arith.muli %scan3A_187, %mul3A_447 : i32
        %add3A_449 = arith.constant 9 : i32
        %add3A_450 = arith.addi %mul3A_448, %add3A_449 : i32
        %slice3A_451 = vector.extract_strided_slice %get3A_196 {offsets = [9], sizes = [1], strides = [1]} : vector<16xf32> to vector<1xf32>
        %squeeze3A_452 = vector.extract %slice3A_451[0] : f32 from vector<1xf32>
        %get3A_453 = arith.index_cast %add3A_450 : i32 to index
        %get3A_454 = arith.constant 0 : index
        %get3A_455 = tpu.vector_load %arg11[%get3A_453, %get3A_454] {strides = array<i32>} : memref<128x32xf32, #tpu.memory_space<vmem>>, vector<1x16xf32>,
        %get3A_456 = vector.shape_cast %get3A_455 : vector<1x16xf32> to vector<16xf32>
        %mul3A_457 = vector.broadcast %squeeze3A_452 : f32 to vector<16xf32>
        %mul3A_458 = arith.mulf %get3A_456, %mul3A_457 : vector<16xf32>
        %swap3A_459 = arith.index_cast %add3A_450 : i32 to index
        %swap3A_460 = arith.constant 0 : index
        %swap3A_461 = tpu.vector_load %arg12[%swap3A_459, %swap3A_460] {strides = array<i32>} : memref<128x32xf32, #tpu.memory_space<vmem>>, vector<1x16xf32>,
        %swap3A_462 = vector.shape_cast %swap3A_461 : vector<1x16xf32> to vector<16xf32>
        %swap3A_463 = vector.shape_cast %mul3A_458 : vector<16xf32> to vector<1x16xf32>
        tpu.vector_store %arg12[%swap3A_459, %swap3A_460], %swap3A_463 {strides = array<i32>} : memref<128x32xf32, #tpu.memory_space<vmem>>, vector<1x16xf32>,
        %get3A_464 = arith.index_cast %add3A_450 : i32 to index
        %get3A_465 = arith.constant 16 : index
        %get3A_466 = tpu.vector_load %arg11[%get3A_464, %get3A_465] {strides = array<i32>} : memref<128x32xf32, #tpu.memory_space<vmem>>, vector<1x16xf32>,
        %get3A_467 = vector.shape_cast %get3A_466 : vector<1x16xf32> to vector<16xf32>
        %mul3A_468 = vector.broadcast %squeeze3A_452 : f32 to vector<16xf32>
        %mul3A_469 = arith.mulf %get3A_467, %mul3A_468 : vector<16xf32>
        %swap3A_470 = arith.index_cast %add3A_450 : i32 to index
        %swap3A_471 = arith.constant 16 : index
        %swap3A_472 = tpu.vector_load %arg12[%swap3A_470, %swap3A_471] {strides = array<i32>} : memref<128x32xf32, #tpu.memory_space<vmem>>, vector<1x16xf32>,
        %swap3A_473 = vector.shape_cast %swap3A_472 : vector<1x16xf32> to vector<16xf32>
        %swap3A_474 = vector.shape_cast %mul3A_469 : vector<16xf32> to vector<1x16xf32>
        tpu.vector_store %arg12[%swap3A_470, %swap3A_471], %swap3A_474 {strides = array<i32>} : memref<128x32xf32, #tpu.memory_space<vmem>>, vector<1x16xf32>,
        %mul3A_475 = arith.constant 16 : i32
        %mul3A_476 = arith.muli %scan3A_187, %mul3A_475 : i32
        %add3A_477 = arith.constant 10 : i32
        %add3A_478 = arith.addi %mul3A_476, %add3A_477 : i32
        %slice3A_479 = vector.extract_strided_slice %get3A_196 {offsets = [10], sizes = [1], strides = [1]} : vector<16xf32> to vector<1xf32>
        %squeeze3A_480 = vector.extract %slice3A_479[0] : f32 from vector<1xf32>
        %get3A_481 = arith.index_cast %add3A_478 : i32 to index
        %get3A_482 = arith.constant 0 : index
        %get3A_483 = tpu.vector_load %arg11[%get3A_481, %get3A_482] {strides = array<i32>} : memref<128x32xf32, #tpu.memory_space<vmem>>, vector<1x16xf32>,
        %get3A_484 = vector.shape_cast %get3A_483 : vector<1x16xf32> to vector<16xf32>
        %mul3A_485 = vector.broadcast %squeeze3A_480 : f32 to vector<16xf32>
        %mul3A_486 = arith.mulf %get3A_484, %mul3A_485 : vector<16xf32>
        %swap3A_487 = arith.index_cast %add3A_478 : i32 to index
        %swap3A_488 = arith.constant 0 : index
        %swap3A_489 = tpu.vector_load %arg12[%swap3A_487, %swap3A_488] {strides = array<i32>} : memref<128x32xf32, #tpu.memory_space<vmem>>, vector<1x16xf32>,
        %swap3A_490 = vector.shape_cast %swap3A_489 : vector<1x16xf32> to vector<16xf32>
        %swap3A_491 = vector.shape_cast %mul3A_486 : vector<16xf32> to vector<1x16xf32>
        tpu.vector_store %arg12[%swap3A_487, %swap3A_488], %swap3A_491 {strides = array<i32>} : memref<128x32xf32, #tpu.memory_space<vmem>>, vector<1x16xf32>,
        %get3A_492 = arith.index_cast %add3A_478 : i32 to index
        %get3A_493 = arith.constant 16 : index
        %get3A_494 = tpu.vector_load %arg11[%get3A_492, %get3A_493] {strides = array<i32>} : memref<128x32xf32, #tpu.memory_space<vmem>>, vector<1x16xf32>,
        %get3A_495 = vector.shape_cast %get3A_494 : vector<1x16xf32> to vector<16xf32>
        %mul3A_496 = vector.broadcast %squeeze3A_480 : f32 to vector<16xf32>
        %mul3A_497 = arith.mulf %get3A_495, %mul3A_496 : vector<16xf32>
        %swap3A_498 = arith.index_cast %add3A_478 : i32 to index
        %swap3A_499 = arith.constant 16 : index
        %swap3A_500 = tpu.vector_load %arg12[%swap3A_498, %swap3A_499] {strides = array<i32>} : memref<128x32xf32, #tpu.memory_space<vmem>>, vector<1x16xf32>,
        %swap3A_501 = vector.shape_cast %swap3A_500 : vector<1x16xf32> to vector<16xf32>
        %swap3A_502 = vector.shape_cast %mul3A_497 : vector<16xf32> to vector<1x16xf32>
        tpu.vector_store %arg12[%swap3A_498, %swap3A_499], %swap3A_502 {strides = array<i32>} : memref<128x32xf32, #tpu.memory_space<vmem>>, vector<1x16xf32>,
        %mul3A_503 = arith.constant 16 : i32
        %mul3A_504 = arith.muli %scan3A_187, %mul3A_503 : i32
        %add3A_505 = arith.constant 11 : i32
        %add3A_506 = arith.addi %mul3A_504, %add3A_505 : i32
        %slice3A_507 = vector.extract_strided_slice %get3A_196 {offsets = [11], sizes = [1], strides = [1]} : vector<16xf32> to vector<1xf32>
        %squeeze3A_508 = vector.extract %slice3A_507[0] : f32 from vector<1xf32>
        %get3A_509 = arith.index_cast %add3A_506 : i32 to index
        %get3A_510 = arith.constant 0 : index
        %get3A_511 = tpu.vector_load %arg11[%get3A_509, %get3A_510] {strides = array<i32>} : memref<128x32xf32, #tpu.memory_space<vmem>>, vector<1x16xf32>,
        %get3A_512 = vector.shape_cast %get3A_511 : vector<1x16xf32> to vector<16xf32>
        %mul3A_513 = vector.broadcast %squeeze3A_508 : f32 to vector<16xf32>
        %mul3A_514 = arith.mulf %get3A_512, %mul3A_513 : vector<16xf32>
        %swap3A_515 = arith.index_cast %add3A_506 : i32 to index
        %swap3A_516 = arith.constant 0 : index
        %swap3A_517 = tpu.vector_load %arg12[%swap3A_515, %swap3A_516] {strides = array<i32>} : memref<128x32xf32, #tpu.memory_space<vmem>>, vector<1x16xf32>,
        %swap3A_518 = vector.shape_cast %swap3A_517 : vector<1x16xf32> to vector<16xf32>
        %swap3A_519 = vector.shape_cast %mul3A_514 : vector<16xf32> to vector<1x16xf32>
        tpu.vector_store %arg12[%swap3A_515, %swap3A_516], %swap3A_519 {strides = array<i32>} : memref<128x32xf32, #tpu.memory_space<vmem>>, vector<1x16xf32>,
        %get3A_520 = arith.index_cast %add3A_506 : i32 to index
        %get3A_521 = arith.constant 16 : index
        %get3A_522 = tpu.vector_load %arg11[%get3A_520, %get3A_521] {strides = array<i32>} : memref<128x32xf32, #tpu.memory_space<vmem>>, vector<1x16xf32>,
        %get3A_523 = vector.shape_cast %get3A_522 : vector<1x16xf32> to vector<16xf32>
        %mul3A_524 = vector.broadcast %squeeze3A_508 : f32 to vector<16xf32>
        %mul3A_525 = arith.mulf %get3A_523, %mul3A_524 : vector<16xf32>
        %swap3A_526 = arith.index_cast %add3A_506 : i32 to index
        %swap3A_527 = arith.constant 16 : index
        %swap3A_528 = tpu.vector_load %arg12[%swap3A_526, %swap3A_527] {strides = array<i32>} : memref<128x32xf32, #tpu.memory_space<vmem>>, vector<1x16xf32>,
        %swap3A_529 = vector.shape_cast %swap3A_528 : vector<1x16xf32> to vector<16xf32>
        %swap3A_530 = vector.shape_cast %mul3A_525 : vector<16xf32> to vector<1x16xf32>
        tpu.vector_store %arg12[%swap3A_526, %swap3A_527], %swap3A_530 {strides = array<i32>} : memref<128x32xf32, #tpu.memory_space<vmem>>, vector<1x16xf32>,
        %mul3A_531 = arith.constant 16 : i32
        %mul3A_532 = arith.muli %scan3A_187, %mul3A_531 : i32
        %add3A_533 = arith.constant 12 : i32
        %add3A_534 = arith.addi %mul3A_532, %add3A_533 : i32
        %slice3A_535 = vector.extract_strided_slice %get3A_196 {offsets = [12], sizes = [1], strides = [1]} : vector<16xf32> to vector<1xf32>
        %squeeze3A_536 = vector.extract %slice3A_535[0] : f32 from vector<1xf32>
        %get3A_537 = arith.index_cast %add3A_534 : i32 to index
        %get3A_538 = arith.constant 0 : index
        %get3A_539 = tpu.vector_load %arg11[%get3A_537, %get3A_538] {strides = array<i32>} : memref<128x32xf32, #tpu.memory_space<vmem>>, vector<1x16xf32>,
        %get3A_540 = vector.shape_cast %get3A_539 : vector<1x16xf32> to vector<16xf32>
        %mul3A_541 = vector.broadcast %squeeze3A_536 : f32 to vector<16xf32>
        %mul3A_542 = arith.mulf %get3A_540, %mul3A_541 : vector<16xf32>
        %swap3A_543 = arith.index_cast %add3A_534 : i32 to index
        %swap3A_544 = arith.constant 0 : index
        %swap3A_545 = tpu.vector_load %arg12[%swap3A_543, %swap3A_544] {strides = array<i32>} : memref<128x32xf32, #tpu.memory_space<vmem>>, vector<1x16xf32>,
        %swap3A_546 = vector.shape_cast %swap3A_545 : vector<1x16xf32> to vector<16xf32>
        %swap3A_547 = vector.shape_cast %mul3A_542 : vector<16xf32> to vector<1x16xf32>
        tpu.vector_store %arg12[%swap3A_543, %swap3A_544], %swap3A_547 {strides = array<i32>} : memref<128x32xf32, #tpu.memory_space<vmem>>, vector<1x16xf32>,
        %get3A_548 = arith.index_cast %add3A_534 : i32 to index
        %get3A_549 = arith.constant 16 : index
        %get3A_550 = tpu.vector_load %arg11[%get3A_548, %get3A_549] {strides = array<i32>} : memref<128x32xf32, #tpu.memory_space<vmem>>, vector<1x16xf32>,
        %get3A_551 = vector.shape_cast %get3A_550 : vector<1x16xf32> to vector<16xf32>
        %mul3A_552 = vector.broadcast %squeeze3A_536 : f32 to vector<16xf32>
        %mul3A_553 = arith.mulf %get3A_551, %mul3A_552 : vector<16xf32>
        %swap3A_554 = arith.index_cast %add3A_534 : i32 to index
        %swap3A_555 = arith.constant 16 : index
        %swap3A_556 = tpu.vector_load %arg12[%swap3A_554, %swap3A_555] {strides = array<i32>} : memref<128x32xf32, #tpu.memory_space<vmem>>, vector<1x16xf32>,
        %swap3A_557 = vector.shape_cast %swap3A_556 : vector<1x16xf32> to vector<16xf32>
        %swap3A_558 = vector.shape_cast %mul3A_553 : vector<16xf32> to vector<1x16xf32>
        tpu.vector_store %arg12[%swap3A_554, %swap3A_555], %swap3A_558 {strides = array<i32>} : memref<128x32xf32, #tpu.memory_space<vmem>>, vector<1x16xf32>,
        %mul3A_559 = arith.constant 16 : i32
        %mul3A_560 = arith.muli %scan3A_187, %mul3A_559 : i32
        %add3A_561 = arith.constant 13 : i32
        %add3A_562 = arith.addi %mul3A_560, %add3A_561 : i32
        %slice3A_563 = vector.extract_strided_slice %get3A_196 {offsets = [13], sizes = [1], strides = [1]} : vector<16xf32> to vector<1xf32>
        %squeeze3A_564 = vector.extract %slice3A_563[0] : f32 from vector<1xf32>
        %get3A_565 = arith.index_cast %add3A_562 : i32 to index
        %get3A_566 = arith.constant 0 : index
        %get3A_567 = tpu.vector_load %arg11[%get3A_565, %get3A_566] {strides = array<i32>} : memref<128x32xf32, #tpu.memory_space<vmem>>, vector<1x16xf32>,
        %get3A_568 = vector.shape_cast %get3A_567 : vector<1x16xf32> to vector<16xf32>
        %mul3A_569 = vector.broadcast %squeeze3A_564 : f32 to vector<16xf32>
        %mul3A_570 = arith.mulf %get3A_568, %mul3A_569 : vector<16xf32>
        %swap3A_571 = arith.index_cast %add3A_562 : i32 to index
        %swap3A_572 = arith.constant 0 : index
        %swap3A_573 = tpu.vector_load %arg12[%swap3A_571, %swap3A_572] {strides = array<i32>} : memref<128x32xf32, #tpu.memory_space<vmem>>, vector<1x16xf32>,
        %swap3A_574 = vector.shape_cast %swap3A_573 : vector<1x16xf32> to vector<16xf32>
        %swap3A_575 = vector.shape_cast %mul3A_570 : vector<16xf32> to vector<1x16xf32>
        tpu.vector_store %arg12[%swap3A_571, %swap3A_572], %swap3A_575 {strides = array<i32>} : memref<128x32xf32, #tpu.memory_space<vmem>>, vector<1x16xf32>,
        %get3A_576 = arith.index_cast %add3A_562 : i32 to index
        %get3A_577 = arith.constant 16 : index
        %get3A_578 = tpu.vector_load %arg11[%get3A_576, %get3A_577] {strides = array<i32>} : memref<128x32xf32, #tpu.memory_space<vmem>>, vector<1x16xf32>,
        %get3A_579 = vector.shape_cast %get3A_578 : vector<1x16xf32> to vector<16xf32>
        %mul3A_580 = vector.broadcast %squeeze3A_564 : f32 to vector<16xf32>
        %mul3A_581 = arith.mulf %get3A_579, %mul3A_580 : vector<16xf32>
        %swap3A_582 = arith.index_cast %add3A_562 : i32 to index
        %swap3A_583 = arith.constant 16 : index
        %swap3A_584 = tpu.vector_load %arg12[%swap3A_582, %swap3A_583] {strides = array<i32>} : memref<128x32xf32, #tpu.memory_space<vmem>>, vector<1x16xf32>,
        %swap3A_585 = vector.shape_cast %swap3A_584 : vector<1x16xf32> to vector<16xf32>
        %swap3A_586 = vector.shape_cast %mul3A_581 : vector<16xf32> to vector<1x16xf32>
        tpu.vector_store %arg12[%swap3A_582, %swap3A_583], %swap3A_586 {strides = array<i32>} : memref<128x32xf32, #tpu.memory_space<vmem>>, vector<1x16xf32>,
        %mul3A_587 = arith.constant 16 : i32
        %mul3A_588 = arith.muli %scan3A_187, %mul3A_587 : i32
        %add3A_589 = arith.constant 14 : i32
        %add3A_590 = arith.addi %mul3A_588, %add3A_589 : i32
        %slice3A_591 = vector.extract_strided_slice %get3A_196 {offsets = [14], sizes = [1], strides = [1]} : vector<16xf32> to vector<1xf32>
        %squeeze3A_592 = vector.extract %slice3A_591[0] : f32 from vector<1xf32>
        %get3A_593 = arith.index_cast %add3A_590 : i32 to index
        %get3A_594 = arith.constant 0 : index
        %get3A_595 = tpu.vector_load %arg11[%get3A_593, %get3A_594] {strides = array<i32>} : memref<128x32xf32, #tpu.memory_space<vmem>>, vector<1x16xf32>,
        %get3A_596 = vector.shape_cast %get3A_595 : vector<1x16xf32> to vector<16xf32>
        %mul3A_597 = vector.broadcast %squeeze3A_592 : f32 to vector<16xf32>
        %mul3A_598 = arith.mulf %get3A_596, %mul3A_597 : vector<16xf32>
        %swap3A_599 = arith.index_cast %add3A_590 : i32 to index
        %swap3A_600 = arith.constant 0 : index
        %swap3A_601 = tpu.vector_load %arg12[%swap3A_599, %swap3A_600] {strides = array<i32>} : memref<128x32xf32, #tpu.memory_space<vmem>>, vector<1x16xf32>,
        %swap3A_602 = vector.shape_cast %swap3A_601 : vector<1x16xf32> to vector<16xf32>
        %swap3A_603 = vector.shape_cast %mul3A_598 : vector<16xf32> to vector<1x16xf32>
        tpu.vector_store %arg12[%swap3A_599, %swap3A_600], %swap3A_603 {strides = array<i32>} : memref<128x32xf32, #tpu.memory_space<vmem>>, vector<1x16xf32>,
        %get3A_604 = arith.index_cast %add3A_590 : i32 to index
        %get3A_605 = arith.constant 16 : index
        %get3A_606 = tpu.vector_load %arg11[%get3A_604, %get3A_605] {strides = array<i32>} : memref<128x32xf32, #tpu.memory_space<vmem>>, vector<1x16xf32>,
        %get3A_607 = vector.shape_cast %get3A_606 : vector<1x16xf32> to vector<16xf32>
        %mul3A_608 = vector.broadcast %squeeze3A_592 : f32 to vector<16xf32>
        %mul3A_609 = arith.mulf %get3A_607, %mul3A_608 : vector<16xf32>
        %swap3A_610 = arith.index_cast %add3A_590 : i32 to index
        %swap3A_611 = arith.constant 16 : index
        %swap3A_612 = tpu.vector_load %arg12[%swap3A_610, %swap3A_611] {strides = array<i32>} : memref<128x32xf32, #tpu.memory_space<vmem>>, vector<1x16xf32>,
        %swap3A_613 = vector.shape_cast %swap3A_612 : vector<1x16xf32> to vector<16xf32>
        %swap3A_614 = vector.shape_cast %mul3A_609 : vector<16xf32> to vector<1x16xf32>
        tpu.vector_store %arg12[%swap3A_610, %swap3A_611], %swap3A_614 {strides = array<i32>} : memref<128x32xf32, #tpu.memory_space<vmem>>, vector<1x16xf32>,
        %mul3A_615 = arith.constant 16 : i32
        %mul3A_616 = arith.muli %scan3A_187, %mul3A_615 : i32
        %add3A_617 = arith.constant 15 : i32
        %add3A_618 = arith.addi %mul3A_616, %add3A_617 : i32
        %slice3A_619 = vector.extract_strided_slice %get3A_196 {offsets = [15], sizes = [1], strides = [1]} : vector<16xf32> to vector<1xf32>
        %squeeze3A_620 = vector.extract %slice3A_619[0] : f32 from vector<1xf32>
        %get3A_621 = arith.index_cast %add3A_618 : i32 to index
        %get3A_622 = arith.constant 0 : index
        %get3A_623 = tpu.vector_load %arg11[%get3A_621, %get3A_622] {strides = array<i32>} : memref<128x32xf32, #tpu.memory_space<vmem>>, vector<1x16xf32>,
        %get3A_624 = vector.shape_cast %get3A_623 : vector<1x16xf32> to vector<16xf32>
        %mul3A_625 = vector.broadcast %squeeze3A_620 : f32 to vector<16xf32>
        %mul3A_626 = arith.mulf %get3A_624, %mul3A_625 : vector<16xf32>
        %swap3A_627 = arith.index_cast %add3A_618 : i32 to index
        %swap3A_628 = arith.constant 0 : index
        %swap3A_629 = tpu.vector_load %arg12[%swap3A_627, %swap3A_628] {strides = array<i32>} : memref<128x32xf32, #tpu.memory_space<vmem>>, vector<1x16xf32>,
        %swap3A_630 = vector.shape_cast %swap3A_629 : vector<1x16xf32> to vector<16xf32>
        %swap3A_631 = vector.shape_cast %mul3A_626 : vector<16xf32> to vector<1x16xf32>
        tpu.vector_store %arg12[%swap3A_627, %swap3A_628], %swap3A_631 {strides = array<i32>} : memref<128x32xf32, #tpu.memory_space<vmem>>, vector<1x16xf32>,
        %get3A_632 = arith.index_cast %add3A_618 : i32 to index
        %get3A_633 = arith.constant 16 : index
        %get3A_634 = tpu.vector_load %arg11[%get3A_632, %get3A_633] {strides = array<i32>} : memref<128x32xf32, #tpu.memory_space<vmem>>, vector<1x16xf32>,
        %get3A_635 = vector.shape_cast %get3A_634 : vector<1x16xf32> to vector<16xf32>
        %mul3A_636 = vector.broadcast %squeeze3A_620 : f32 to vector<16xf32>
        %mul3A_637 = arith.mulf %get3A_635, %mul3A_636 : vector<16xf32>
        %swap3A_638 = arith.index_cast %add3A_618 : i32 to index
        %swap3A_639 = arith.constant 16 : index
        %swap3A_640 = tpu.vector_load %arg12[%swap3A_638, %swap3A_639] {strides = array<i32>} : memref<128x32xf32, #tpu.memory_space<vmem>>, vector<1x16xf32>,
        %swap3A_641 = vector.shape_cast %swap3A_640 : vector<1x16xf32> to vector<16xf32>
        %swap3A_642 = vector.shape_cast %mul3A_637 : vector<16xf32> to vector<1x16xf32>
        tpu.vector_store %arg12[%swap3A_638, %swap3A_639], %swap3A_642 {strides = array<i32>} : memref<128x32xf32, #tpu.memory_space<vmem>>, vector<1x16xf32>,
        %scan3A_643 = arith.constant 0 : i32
        scf.yield %scan3A_643 : i32
      }
      %scan3A_185 = arith.constant 8 : i32
      "tpu.region"() ({
        %run_scoped3A = tpu.sem_alloc : memref<!tpu.dma_semaphore, #tpu.memory_space<semaphore_mem>>
        %dma_start3A = arith.constant 0 : i32
        %dma_start3A_187 = arith.constant 0 : i32
        %dma_start3A_188 = tpu.memref_slice %arg16[%dma_start3A, %dma_start3A_187] : memref<4096x32xf32, #tpu.memory_space<vmem_shared>> -> memref<4096x32xf32, #tpu.memory_space<vmem_shared>>
        tpu.enqueue_indirect_dma source(%arg12 : memref<128x32xf32, #tpu.memory_space<vmem>>) target(%dma_start3A_188 : memref<4096x32xf32, #tpu.memory_space<vmem_shared>>) offsets(%arg14 : memref<128xi32, #tpu.memory_space<vmem>>) semaphore(%run_scoped3A : memref<!tpu.dma_semaphore, #tpu.memory_space<semaphore_mem>>) {add = true}
        %dma_wait3A = arith.constant 0 : i32
        %dma_wait3A_189 = arith.constant 0 : i32
        %dma_wait3A_190 = tpu.memref_slice %arg16[%dma_wait3A, %dma_wait3A_189] : memref<4096x32xf32, #tpu.memory_space<vmem_shared>> -> memref<4096x32xf32, #tpu.memory_space<vmem_shared>>
        tpu.wait_indirect_dma semaphore(%run_scoped3A : memref<!tpu.dma_semaphore, #tpu.memory_space<semaphore_mem>>) src(%arg12 : memref<128x32xf32, #tpu.memory_space<vmem>>) dst(%dma_wait3A_190 : memref<4096x32xf32, #tpu.memory_space<vmem_shared>>)
        tpu.yield
      }) : () -> ()
      %scan3A_186 = arith.constant 0 : i32
      scf.yield %scan3A_186 : i32
    }
    %scan3A_21 = arith.constant 41 : i32
    %barrier3A_22 = arith.constant 0 : index
    tpu.barrier barrier_id(%barrier3A_22)
    %mul3A_23 = arith.constant 256 : i32
    %mul3A_24 = arith.muli %arg1, %mul3A_23 : i32
    "tpu.region"() ({
      %run_scoped3A = tpu.sem_alloc : memref<!tpu.dma_semaphore, #tpu.memory_space<semaphore_mem>>
      %dma_start3A = arith.constant 0 : i32
      %dma_start3A_27 = tpu.memref_slice %arg16[%mul3A_24, %dma_start3A] : memref<4096x32xf32, #tpu.memory_space<vmem_shared>> -> memref<256x32xf32, #tpu.memory_space<vmem_shared>>
      %dma_start3A_28 = arith.constant 0 : i32
      %dma_start3A_29 = tpu.memref_slice %arg16[%mul3A_24, %dma_start3A_28] : memref<4096x32xf32, #tpu.memory_space<vmem_shared>> -> memref<256x32xf32, #tpu.memory_space<vmem_shared>>
      tpu.enqueue_dma source(%dma_start3A_29 : memref<256x32xf32, #tpu.memory_space<vmem_shared>>) target(%arg7 : memref<256x32xf32, #tpu.memory_space<vmem>>) target_semaphore(%run_scoped3A : memref<!tpu.dma_semaphore, #tpu.memory_space<semaphore_mem>>)
      %dma_wait3A = arith.constant 0 : i32
      %dma_wait3A_30 = tpu.memref_slice %arg16[%mul3A_24, %dma_wait3A] : memref<4096x32xf32, #tpu.memory_space<vmem_shared>> -> memref<256x32xf32, #tpu.memory_space<vmem_shared>>
      %dma_wait3A_31 = arith.constant 0 : i32
      %dma_wait3A_32 = tpu.memref_slice %arg16[%mul3A_24, %dma_wait3A_31] : memref<4096x32xf32, #tpu.memory_space<vmem_shared>> -> memref<256x32xf32, #tpu.memory_space<vmem_shared>>
      tpu.wait_dma2 semaphore(%run_scoped3A : memref<!tpu.dma_semaphore, #tpu.memory_space<semaphore_mem>>) src(%dma_wait3A_32 : memref<256x32xf32, #tpu.memory_space<vmem_shared>>) dst(%arg7 : memref<256x32xf32, #tpu.memory_space<vmem>>)
      tpu.yield
    }) : () -> ()
    %mul3A_25 = arith.constant 256 : i32
    %mul3A_26 = arith.muli %arg1, %mul3A_25 : i32
    "tpu.region"() ({
      %run_scoped3A = tpu.sem_alloc : memref<!tpu.dma_semaphore, #tpu.memory_space<semaphore_mem>>
      %dma_start3A = arith.constant 0 : i32
      %dma_start3A_27 = tpu.memref_slice %arg6[%arg0, %mul3A_26, %dma_start3A] : memref<2x4096x32xf32, #tpu.memory_space<hbm>> -> memref<1x256x32xf32, #tpu.memory_space<hbm>>
      %dma_start3A_28 = tpu.memref_squeeze %dma_start3A_27 : memref<1x256x32xf32, #tpu.memory_space<hbm>> -> memref<256x32xf32, #tpu.memory_space<hbm>>
      %dma_start3A_29 = arith.constant 0 : i32
      %dma_start3A_30 = tpu.memref_slice %arg6[%arg0, %mul3A_26, %dma_start3A_29] : memref<2x4096x32xf32, #tpu.memory_space<hbm>> -> memref<1x256x32xf32, #tpu.memory_space<hbm>>
      %dma_start3A_31 = tpu.memref_squeeze %dma_start3A_30 : memref<1x256x32xf32, #tpu.memory_space<hbm>> -> memref<256x32xf32, #tpu.memory_space<hbm>>
      tpu.enqueue_dma source(%arg7 : memref<256x32xf32, #tpu.memory_space<vmem>>) target(%dma_start3A_31 : memref<256x32xf32, #tpu.memory_space<hbm>>) target_semaphore(%run_scoped3A : memref<!tpu.dma_semaphore, #tpu.memory_space<semaphore_mem>>)
      %dma_wait3A = arith.constant 0 : i32
      %dma_wait3A_32 = tpu.memref_slice %arg6[%arg0, %mul3A_26, %dma_wait3A] : memref<2x4096x32xf32, #tpu.memory_space<hbm>> -> memref<1x256x32xf32, #tpu.memory_space<hbm>>
      %dma_wait3A_33 = tpu.memref_squeeze %dma_wait3A_32 : memref<1x256x32xf32, #tpu.memory_space<hbm>> -> memref<256x32xf32, #tpu.memory_space<hbm>>
      %dma_wait3A_34 = arith.constant 0 : i32
      %dma_wait3A_35 = tpu.memref_slice %arg6[%arg0, %mul3A_26, %dma_wait3A_34] : memref<2x4096x32xf32, #tpu.memory_space<hbm>> -> memref<1x256x32xf32, #tpu.memory_space<hbm>>
      %dma_wait3A_36 = tpu.memref_squeeze %dma_wait3A_35 : memref<1x256x32xf32, #tpu.memory_space<hbm>> -> memref<256x32xf32, #tpu.memory_space<hbm>>
      tpu.wait_dma2 semaphore(%run_scoped3A : memref<!tpu.dma_semaphore, #tpu.memory_space<semaphore_mem>>) src(%arg7 : memref<256x32xf32, #tpu.memory_space<vmem>>) dst(%dma_wait3A_36 : memref<256x32xf32, #tpu.memory_space<hbm>>)
      tpu.yield
    }) : () -> ()
    return
  }
}

module attributes {stable_mosaic.version = 14 : i64} {
  func.func @_dense_body(%arg0: i32, %arg1: memref<32x4096xf32, #tpu.memory_space<vmem>>, %arg2: memref<512x4096xf32, #tpu.memory_space<vmem>>, %arg3: memref<1x512xf32, #tpu.memory_space<vmem>>, %arg4: memref<32x512xf32, #tpu.memory_space<vmem>>) attributes {dimension_semantics = [#tpu.dimension_semantics<arbitrary>], iteration_bounds = array<i64: 8>, scalar_prefetch = 0 : i64, scratch_operands = 0 : i64, tpu.core_type = #tpu.core_type<tc>, window_params = [{pipeline_mode = #tpu.pipeline_mode<synchronous>, transform_indices = @transform_0, window_bounds = array<i64: 32, 4096>}, {transform_indices = @transform_1, window_bounds = array<i64: 512, 4096>}, {transform_indices = @transform_2, window_bounds = array<i64: 1, 512>}, {transform_indices = @transform_3, window_bounds = array<i64: 32, 512>}]} {
    %get3A = arith.constant 0 : index
    %get3A_0 = arith.constant 0 : index
    %get3A_1 = vector.load %arg1[%get3A, %get3A_0] : memref<32x4096xf32, #tpu.memory_space<vmem>>, vector<32x4096xf32>
    %get3A_2 = arith.constant 0 : index
    %get3A_3 = arith.constant 0 : index
    %get3A_4 = vector.load %arg2[%get3A_2, %get3A_3] : memref<512x4096xf32, #tpu.memory_space<vmem>>, vector<512x4096xf32>
    %dot_general3A = arith.constant dense<0.000000e+00> : vector<32x512xf32>
    %dot_general3A_5 = tpu.matmul %get3A_1, %get3A_4, %dot_general3A {dimension_numbers = #tpu.dot_dimension_numbers<[1], [1], [0], [0], [0, 0, 1, 0], [], []>, precision = #tpu.contract_precision<fp32>, transpose_lhs_hint = false} : vector<32x4096xf32>, vector<512x4096xf32>, vector<32x512xf32> -> vector<32x512xf32>
    %get3A_6 = arith.constant 0 : index
    %get3A_7 = arith.constant 0 : index
    %get3A_8 = vector.load %arg3[%get3A_6, %get3A_7] : memref<1x512xf32, #tpu.memory_space<vmem>>, vector<1x512xf32>
    %add3A = vector.broadcast %get3A_8 : vector<1x512xf32> to vector<32x512xf32>
    %add3A_9 = arith.addf %dot_general3A_5, %add3A : vector<32x512xf32>
    %swap3A = arith.constant 0 : index
    %swap3A_10 = arith.constant 0 : index
    %swap3A_11 = vector.load %arg4[%swap3A, %swap3A_10] : memref<32x512xf32, #tpu.memory_space<vmem>>, vector<32x512xf32>
    tpu.vector_store %arg4[%swap3A, %swap3A_10], %add3A_9 {strides = array<i32>} : memref<32x512xf32, #tpu.memory_space<vmem>>, vector<32x512xf32>,
    return
  }
  func.func @transform_0(%arg0: i32) -> (i32, i32) {
    %c0_i32 = arith.constant 0 : i32
    %c0_i32_0 = arith.constant 0 : i32
    %c0_i32_1 = arith.constant 0 : i32
    return %c0_i32, %c0_i32_0 : i32, i32
  }
  func.func @transform_1(%arg0: i32) -> (i32, i32) {
    %c0_i32 = arith.constant 0 : i32
    %c0_i32_0 = arith.constant 0 : i32
    return %arg0, %c0_i32 : i32, i32
  }
  func.func @transform_2(%arg0: i32) -> (i32, i32) {
    %c0_i32 = arith.constant 0 : i32
    %c0_i32_0 = arith.constant 0 : i32
    return %c0_i32, %arg0 : i32, i32
  }
  func.func @transform_3(%arg0: i32) -> (i32, i32) {
    %c0_i32 = arith.constant 0 : i32
    %c0_i32_0 = arith.constant 0 : i32
    return %c0_i32, %arg0 : i32, i32
  }
}

</mosaic_0001>

<sc_bundles>
// kernel: kernel.4.cloned.1.call-start
scs
__scs_entry_jumppad:
0x0: {  	(pc) =	sbr.rel $0x88, $3  }
0x1: {  	(tag) =	ssettag $0x0;
	lr =	simm.s32 $0x1  }
0x2: {  	[smem:$0x3F9B] =	sst lr;
	_ =	strace $0xD0000000  }
0x3: {  	_ = 	snop  }
0x4: {  	_ = 	snop  }
0x5: {  	_ = 	snop  }
0x6: {  	_ = 	snop  }
0x7: {  	_ = 	snop  }
__scs_overlays_trampoline_lowered:
0x8: {  	[smem:$0x3FAA] =	sst s0  }
0x9: {  	[smem:$0x3FAB] =	sst s1  }
0xa: {  	[smem:$0x3FAC] =	sst s2  }
0xb: {  	[smem:$0x3FAD] =	sst s3  }
0xc: {  	[smem:$0x3FAE] =	sst s4  }
0xd: {  	[smem:$0x3FAF] =	sst s5  }
0xe: {  	[smem:$0x3FB0] =	sst s6  }
0xf: {  	[smem:$0x3FB1] =	sst s7  }
0x10: {  	[smem:$0x3FB2] =	sst s8  }
0x11: {  	[smem:$0x3FB3] =	sst s9;
	s0 =	simm.s32 @!p0 $0x0  }
0x12: {  	s1 =	sld [smem:$0x3F99];
	s0 =	simm.s32 @p0 $0x1  }
0x13: {  	[smem:$0x3FB4] =	sst s0;
	s0 =	simm.s32 @!p1 $0x0  }
0x14: {  	s2 =	sld [smem:$0x3F98];
	s0 =	simm.s32 @p1 $0x1  }
0x15: {  	[smem:$0x3FB5] =	sst s0;
	s0 =	simm.s32 @!p2 $0x0  }
0x16: {  	s3 =	sld [smem:$0x3FDB];
	s0 =	simm.s32 @p2 $0x1  }
0x17: {  	s4 =	simm.s32 $0x1BF5;
	[smem:$0x3FB7] =	sst s0  }
0x18: {  	s0 =	sld [smem:$0x3F9A];
	_ =	swait.ge [sflag:s4], $0x0  }
0x19: {  	s7 =	sld [smem:$0x3F9B]  }
0x1a: {  	s8 =	sadd.s32 $0xFFFFE003, lr  }
0x1b: {  	s9 =	sadd.s32 $0xFFFFFEF7, lr;
	s5 =	simm.s32 $0xFFFFFFFF;
	p2 =	slt.u32 s8, $0xFFFFF086  }
0x1c: {  	p1 =	slt.u32 s9, $0xF7A;
	s5 =	simm.s32 @!p2 $0x0  }
0x1d: {  	s5 =	simm.s32 @p1 $0x1;
	p0 =	seq.s32 s7, s2  }
0x1e: {  	s7 =	smul.u32 @!p0 $0xF7A, s2;
	p2 =	seq.s32 @!p0 s5, $0x0  }
0x1f: {  	s9 =	smul.u32 $0xF7A, s1;
	s8 =	simm.s32 @!p0 $0x1BF5;
	p2 =	por !p2, p0  }
0x20: {  	[sflag:s8] =	ssyncset.s32 @!p0 $0xFFFFF086;
	s6 =	sadd.s32 @!p0 s3, s7;
	s7 =	simm.s32 @!p0 $0x108  }
0x21: {  	s3 =	sadd.s32 s3, s9;
	s6 =	sadd.s32 @!p0 $0x88, s6;
	s7 =	simm.s32 @p2 $0x1082  }
0x22: {  	[simem:s7], [sflag:s8] =	dma.local @!p0 [hbm:s6], $0xF7A  }
0x23: {  	s9 =	sor.u32 $0xD0000000, s2;
	s6 =	simm.s32 $0x108;
	_ =	swait.ge @!p0 [sflag:s8], $0x0  }
0x24: {  	s3 =	sadd.s32 $0x88, s3;
	s6 =	simm.s32 @!p1 $0x1082;
	[sflag:s4] =	ssyncset.s32 $0xFFFFF086  }
0x25: {  	[simem:s6], [sflag:s4] =	dma.local [hbm:s3], $0xF7A  }
0x26: {  	[smem:$0x3F9B] =	sst s1;
	(tag) =	ssettag s2;
	_ =	strace s9  }
0x27: {  	s1 =	sld [smem:$0x3FAB]  }
0x28: {  	s2 =	sld [smem:$0x3FAC]  }
0x29: {  	s4 =	sld [smem:$0x3FAE]  }
0x2a: {  	p0 =	seq.s32 s5, $0x0;
	s5 =	sld [smem:$0x3FAF]  }
0x2b: {  	s6 =	sld [smem:$0x3FB0]  }
0x2c: {  	s7 =	sld [smem:$0x3FB1]  }
0x2d: {  	s3 =	simm.s32 $0x108;
	s8 =	sld [smem:$0x3FB2]  }
0x2e: {  	s3 =	simm.s32 @!p0 $0x1082;
	s9 =	sld [smem:$0x3FB3]  }
0x2f: {  	lr =	sadd.s32 s0, s3;
	s0 =	sld [smem:$0x3FAA]  }
0x30: {  	s3 =	sld [smem:$0x3FAD]  }
0x31: {  	[smem:$0x3FB6] =	sst s10  }
0x32: {  	s10 =	sld [smem:$0x3FB4];
	_ =	sdelay $0x3  }
0x33: {  	p0 =	seq.s32 s10, $0x1;
	s10 =	sld [smem:$0x3FB6];
	_ =	sdelay $0x3  }
0x34: {  	[smem:$0x3FB6] =	sst s10  }
0x35: {  	s10 =	sld [smem:$0x3FB5];
	_ =	sdelay $0x3  }
0x36: {  	p1 =	seq.s32 s10, $0x1;
	s10 =	sld [smem:$0x3FB6];
	_ =	sdelay $0x3  }
0x37: {  	[smem:$0x3FB6] =	sst s10  }
0x38: {  	s10 =	sld [smem:$0x3FB7]  }
0x39: {  	_ = 	snop;
	(pc) =	sbr.ind lr, $3  }
0x3a: {  	_ = 	snop  }
0x3b: {  	_ = 	snop  }
0x3c: {  	p2 =	seq.s32 s10, $0x1;
	s10 =	sld [smem:$0x3FB6]  }
0x3d: {  	_ =	shalt  }
0x3e: {  	_ =	shalt  }
0x3f: {  	_ =	shalt  }
0x40: {  	_ =	shalt  }
0x41: {  	_ =	shalt  }
0x42: {  	_ =	shalt  }
0x43: {  	_ =	shalt  }
0x44: {  	_ =	shalt  }
0x45: {  	_ =	shalt  }
0x46: {  	_ =	shalt  }
0x47: {  	_ =	shalt  }
0x48: {  	_ =	shalt  }
0x49: {  	_ =	shalt  }
0x4a: {  	_ =	shalt  }
0x4b: {  	_ =	shalt  }
0x4c: {  	_ =	shalt  }
0x4d: {  	_ =	shalt  }
0x4e: {  	_ =	shalt  }
0x4f: {  	_ =	shalt  }
0x50: {  	_ =	shalt  }
0x51: {  	_ =	shalt  }
0x52: {  	_ =	shalt  }
0x53: {  	_ =	shalt  }
0x54: {  	_ =	shalt  }
0x55: {  	_ =	shalt  }
0x56: {  	_ =	shalt  }
0x57: {  	_ =	shalt  }
0x58: {  	_ =	shalt  }
0x59: {  	_ =	shalt  }
0x5a: {  	_ =	shalt  }
0x5b: {  	_ =	shalt  }
0x5c: {  	_ =	shalt  }
0x5d: {  	_ =	shalt  }
0x5e: {  	_ =	shalt  }
0x5f: {  	_ =	shalt  }
0x60: {  	_ =	shalt  }
0x61: {  	_ =	shalt  }
0x62: {  	_ =	shalt  }
0x63: {  	_ =	shalt  }
0x64: {  	_ =	shalt  }
0x65: {  	_ =	shalt  }
0x66: {  	_ =	shalt  }
0x67: {  	_ =	shalt  }
0x68: {  	_ =	shalt  }
0x69: {  	_ =	shalt  }
0x6a: {  	_ =	shalt  }
0x6b: {  	_ =	shalt  }
0x6c: {  	_ =	shalt  }
0x6d: {  	_ =	shalt  }
0x6e: {  	_ =	shalt  }
0x6f: {  	_ =	shalt  }
0x70: {  	_ =	shalt  }
0x71: {  	_ =	shalt  }
0x72: {  	_ =	shalt  }
0x73: {  	_ =	shalt  }
0x74: {  	_ =	shalt  }
0x75: {  	_ =	shalt  }
0x76: {  	_ =	shalt  }
0x77: {  	_ =	shalt  }
0x78: {  	_ =	shalt  }
0x79: {  	_ =	shalt  }
0x7a: {  	_ =	shalt  }
0x7b: {  	_ =	shalt  }
0x7c: {  	_ =	shalt  }
0x7d: {  	_ =	shalt  }
0x7e: {  	_ =	shalt  }
0x7f: {  	_ =	shalt  }
0x80: {  	_ =	shalt  }
0x81: {  	_ =	shalt  }
0x82: {  	_ =	shalt  }
0x83: {  	_ =	shalt  }
0x84: {  	_ =	shalt  }
0x85: {  	_ =	shalt  }
0x86: {  	_ =	shalt  }
0x87: {  	_ =	shalt  }
.Lfunc_end0:
.L_simem_size_0:
called_computation_lowered:
.L_overlay_start_0:
0x88: {  	s2 =	sld [smem:$0x3FD9]  }
0x89: {  	s3 =	sld [smem:$0x3FFE];
	_ =	sdelay $0x1  }
0x8a: {  	s1 =	srdreg.scid  }
0x8b: {  	s0 =	sand.u32 $0x1, s1  }
0x8c: {  	s17 =	sshll.u32 s0, $0xA;
	s2 =	sadd.s32 s3, s2  }
0x8d: {  	s2 =	sadd.s32 s2, s17  }
0x8e: {  	[smem:$0x3FC2] =	sst s2  }
0x8f: {  	_ = 	snop  }
0x90: {  	s2 =	sld [smem:$0x3FD0];
	(tm) =	ssettm $0x1  }
0x91: {  	s18 =	sld [smem:$0x3FFB];
	_ =	sdelay $0x3  }
0x92: {  	_ =	strace s18  }
0x93: {  	s3 =	sld [smem:$0x3FFC];
	_ =	sdelay $0x3  }
0x94: {  	_ =	strace s3  }
0x95: {  	s3 =	sld [smem:$0x3FFD];
	_ =	sdelay $0x3  }
0x96: {  	_ =	strace s3  }
0x97: {  	_ =	strace $0x8FFFFFFF  }
0x98: {  	s19 =	sld [smem:$0x3FDB];
	_ =	sdelay $0x1  }
0x99: {  	s4 =	simm.s32 $_scs_section_size  }
0x9a: {  	s5 =	simm.s32 $_size__tile_overlayer_lowered;
	s6 =	simm.s32 $_tile_overlayer_lowered  }
0x9b: {  	s22 =	simm.s32 $0x1BFF;
	s21 =	sshll.u32 s6, $0x1;
	s3 =	sadd.s32 s4, s19  }
0x9c: {  	s7 =	simm.s32 $0x0;
	s20 =	sshll.u32 s5, $0x1;
	s5 =	sadd.s32 s21, s3  }
0x9d: {  	[timem:s7], [sflag:s22] =	dma.local [hbm:s5], s20  }
0x9e: {  	_ =	swait.ge [sflag:s22], s20  }
0x9f: {  	s4 =	ssub.s32 $0x0, s20;
	[sflag:s22] =	ssyncset.done $0x0  }
0xa0: {  	[sflag:s22] =	ssyncadd.s32 s4;
	_ =	sdelay $0x1  }
0xa1: {  	s23 =	simm.s32 $0x1B8B  }
0xa2: {  	_ =	swait.ge [sflag:s23], $0x1  }
0xa3: {  	[sflag:s23] =	ssyncset.done $0x0  }
0xa4: {  	s25 =	simm.s32 $0x1B8E;
	s24 =	sld [smem:$0x3FFE];
	[sflag:s23] =	ssyncadd.s32 $0xFFFFFFFF  }
0xa5: {  	s26 =	simm.s32 $execute0_lowered;
	[smem:$0x3FD2] =	sst s25  }
0xa6: {  	s5 =	sshll.u32 s26, $0x1;
	_ =	strace $0x80000046;
	[dreg:$0x1] =	wrdreg $0xFFFFFFFF  }
0xa7: {  	s28 =	simm.s32 $_size_execute0_lowered;
	s3 =	sadd.s32 s3, s5;
	[dreg:$0x0] =	wrdreg $0x0  }
0xa8: {  	s5 =	sshll.u32 s28, $0x1;
	[dreg:$0x2] =	wrdreg s3  }
0xa9: {  	[dreg:$0x3] =	wrdreg s5  }
0xaa: {  	[dreg:$0x4] =	wrdreg $0xC0  }
0xab: {  	_ =	task [dreg:s7], $0x5FFFF  }
0xac: {  	[dreg:$0x1] =	wrdreg $0xFFFFFFFF  }
0xad: {  	[dreg:$0x0] =	wrdreg $0x60  }
0xae: {  	[dreg:$0x2] =	wrdreg s2  }
0xaf: {  	[dreg:$0x3] =	wrdreg s24  }
0xb0: {  	[dreg:$0x4] =	wrdreg $0x9E800  }
0xb1: {  	[dreg:$0x5] =	wrdreg $0x7E800  }
0xb2: {  	[dreg:$0x6] =	wrdreg $0x9  }
0xb3: {  	_ =	task.clear_ibuf [dreg:s7], $0x7FFFF;
	_ =	strace $0x90000046  }
0xb4: {  	s29 =	simm.s32 $0x9;
	_ =	strace $0x80000048  }
0xb5: {  	_ =	swait.ge [sflag:s29], $0x1  }
0xb6: {  	[sflag:s29] =	ssyncadd.s32 $0xFFFFFFFF  }
0xb7: {  	_ =	strace $0x90000048  }
0xb8: {  	_ =	sfence  }
0xb9: {  	s30 =	sld [smem:$0x0];
	_ =	sdelay $0x2  }
0xba: {  	s31 =	sshll.u32 s1, $0xD;
	s1 =	sshrl.u32 s1, $0x2  }
0xbb: {  	s3 =	sand.u32 $0x4000, s31;
	s1 =	sadd.s32 s1, s30  }
0xbc: {  	s0 =	sor.u32 s3, s0;
	s1 =	sshll.u32 s1, $0x11  }
0xbd: {  	s0 =	sor.u32 s1, s0  }
0xbe: {  	s0 =	sadd.s32 $0x8F2B, s0  }
0xbf: {  	[sflag:s0] =	ssyncadd.remote.s32 $0x1  }
0xc0: {  	_ =	sfence.sel $0xFFFF  }
0xc1: {  	[dreg:$0x0] =	wrdreg $0xFFFFFFFF;
	(pc) =	sbr.abs _section_cstart, $3  }
0xc2: {  	[dreg:$0x1] =	wrdreg $0xFFFFFFFF  }
0xc3: {  	_ =	task.clear_ibuf [dreg:s7], $0x2FFFF;
	_ =	strace $0x9FFFFFFF  }
0xc4: {  	(tm) =	ssettm $0x7FFFFFFF  }
0xc5: {  	_ =	shalt  }
tec
execute0_lowered:
.L_overlay_start_1:
0x0: {  	(tag) =	ssettag $0x1  }
0x1: {  	s6 =	rddreg [dreg:$0x0]  }
0x2: {  	s5 =	rddreg [dreg:$0x1]  }
0x3: {  	s1 =	rddreg [dreg:$0x2]  }
0x4: {  	s2 =	rddreg [dreg:$0x3];
	s3 =	srdreg.scid  }
0x5: {  	s0 =	rddreg [dreg:$0x4];
	s4 =	simm.s32 $0x0;
	s14 =	simm.s32 $0x2000  }
0x6: {  	s15 =	simm.s32 $0x4900;
	s16 =	simm.s32 $0x80;
	s17 =	simm.s32 $0x7D80  }
0x7: {  	s18 =	simm.s32 $0x5D80;
	s19 =	simm.s32 $0x7E00;
	s20 =	simm.s32 $0x6D80  }
0x8: {  	s21 =	simm.s32 $0x0;
	s7 =	sand.u32 $0x1, s3;
	s3 =	stileid.u32  }
0x9: {  	[smem:$0x7FF] =	sst s4;
	s8 =	sshll.u32 s7, $0x4;
	s9 =	sshll.u32 s3, $0xD  }
0xa: {  	s10 =	sshll.u32 s7, $0x11;
	_ =	strace $0x80000047;
	s7 =	ssub.s32 $0x2, s7  }
0xb: {  	s31 =	sshll.u32 s3, $0xA;
	s8 =	sor.u32 s3, s8;
	s10 =	sor.u32 s9, s10  }
0xc: {  	s30 =	sshrl.u32 s7, $0x1;
	s6 =	sadd.s32 s6, s31;
	s8 =	smul.u32 $0x290, s8  }
0xd: {  	s29 =	sshrl.u32 s10, $0x3;
	s13 =	ssub.s32 s7, s30;
	s7 =	sadd.s32 s9, s2  }
0xe: {  	s12 =	sadd.s32 s29, s5;
	s11 =	sadd.s32 s8, s5;
	s5 =	sadd.s32 s9, s1  }
0xf: {  	s8 =	sadd.s32 $0xE00, s11;
	s9 =	sadd.s32 $0xB200, s11;
	s10 =	sadd.s32 $0x6000, s11  }
0x10: {  	v0 =	vimm.f32 $0.0e+00;
	s11 =	sadd.s32 $0x10400, s12;
	s12 =	smax.u32 s13, $0x1;
	s13 =	simm.s32 $0x1  }
.LBB2_1:
0x11: {  	s22 =	simm.s32 $0x80;
	s23 =	simm.s32 $0x0  }
.LBB2_2:
0x12: {  	p0 =	sne.s32 s22, $0x7F80;
	[tilespmem:s23+$0x0] =	vst v0;
	s24 =	smov.u32 s22;
	s22 =	sadd.s32 $0x80, s22  }
.Ltmp0:
0x13: {  	[tilespmem:s23+$0x10] =	vst v0;
	(pc) =	sbr.rel @p0 .LBB2_2-.Ltmp0, $2  }
0x14: {  	_ =	sdelay $0x2  }
0x15: {  	s23 =	sshra.s32 s24, $0x2  }
0x16: {  	[tilespmem:s23+$0x0] =	vst v0  }
0x17: {  	[tilespmem:s23+$0x10] =	vst v0;
	s22 =	simm.s32 $0x0  }
0x18: {  	[spmem:s5] =	stream.linear.scatter [tilespmem:s22], [sflag:$0x1], $0x2000, $0x38;
	[tilespmem:$0xBE80] =	vst v63  }
0x19: {  	_ =	swait.ge [sflag:s13], $0x2000  }
0x1a: {  	[sflag:s13] =	ssyncset.done $0x0  }
0x1b: {  	[sflag:s13] =	ssyncadd.s32 $0xFFFFE000  }
0x1c: {  	[tilespmem:s22], [sflag:$0x1] =	stream.linear.gather [hbm4b:s6+s22], $0x2000, $0x38;
	[tilespmem:$0xBE80] =	vst v63  }
0x1d: {  	_ =	swait.ge [sflag:s13], $0x2000  }
0x1e: {  	[sflag:s13] =	ssyncset.done $0x0  }
0x1f: {  	[sflag:s13] =	ssyncadd.s32 $0xFFFFE000  }
0x20: {  	[spmem:s7] =	stream.linear.scatter [tilespmem:s22], [sflag:$0x1], $0x2000, $0x38;
	[tilespmem:$0xBE80] =	vst v63  }
0x21: {  	_ =	swait.ge [sflag:s13], $0x2000  }
0x22: {  	[sflag:s13] =	ssyncset.done $0x0  }
0x23: {  	[sflag:s13] =	ssyncadd.s32 $0xFFFFE000  }
0x24: {  	[tilespmem:s14], [sflag:$0x1] =	stream.linear.gather [hbm4b:s8+s22], $0x1480, $0x38;
	[tilespmem:$0xBE80] =	vst v63  }
0x25: {  	_ =	swait.ge [sflag:s13], $0x1480  }
0x26: {  	[sflag:s13] =	ssyncset.done $0x0  }
0x27: {  	s23 =	simm.s32 $0x3480;
	[sflag:s13] =	ssyncadd.s32 $0xFFFFEB80  }
0x28: {  	[tilespmem:s23], [sflag:$0x1] =	stream.linear.gather [hbm4b:s9+s22], $0x1480, $0x38;
	[tilespmem:$0xBE80] =	vst v63  }
0x29: {  	_ =	swait.ge [sflag:s13], $0x1480  }
0x2a: {  	[sflag:s13] =	ssyncset.done $0x0  }
0x2b: {  	[sflag:s13] =	ssyncadd.s32 $0xFFFFEB80  }
0x2c: {  	[tilespmem:s15], [sflag:$0x1] =	stream.linear.gather [hbm4b:s10+s22], $0x1480, $0x38;
	[tilespmem:$0xBE80] =	vst v63  }
0x2d: {  	_ =	swait.ge [sflag:s13], $0x1480  }
0x2e: {  	[sflag:s13] =	ssyncset.done $0x0  }
0x2f: {  	[sflag:s13] =	ssyncadd.s32 $0xFFFFEB80  }
0x30: {  	[bflag:$0x0] =	sbarrier.arrive $0xFFFF  }
.LBB2_4:
0x31: {  	s24 =	sshll.u32 s22, $0x7  }
0x32: {  	v1 =	vld [tilespmem:s24+$0x2000];
	_ =	sdelay $0x4  }
0x33: {  	[tilespmem:$0x7D80] =	vst v1  }
0x34: {  	v1 =	vld [tilespmem:s24+$0x4900];
	_ =	sdelay $0x4  }
0x35: {  	[tilespmem:$0x7E00] =	vst v1  }
0x36: {  	v1 =	vld [tilespmem:s24+$0x2010];
	_ =	sdelay $0x4  }
0x37: {  	[tilespmem:$0x7D90] =	vst v1  }
0x38: {  	v1 =	vld [tilespmem:s24+$0x4910];
	_ =	sdelay $0x4  }
0x39: {  	[tilespmem:$0x7E10] =	vst v1  }
0x3a: {  	v1 =	vld [tilespmem:s24+$0x2020];
	_ =	sdelay $0x4  }
0x3b: {  	[tilespmem:$0x7DA0] =	vst v1  }
0x3c: {  	v1 =	vld [tilespmem:s24+$0x4920];
	_ =	sdelay $0x4  }
0x3d: {  	[tilespmem:$0x7E20] =	vst v1  }
0x3e: {  	v1 =	vld [tilespmem:s24+$0x2030];
	_ =	sdelay $0x4  }
0x3f: {  	[tilespmem:$0x7DB0] =	vst v1  }
0x40: {  	v1 =	vld [tilespmem:s24+$0x4930];
	_ =	sdelay $0x4  }
0x41: {  	[tilespmem:$0x7E30] =	vst v1  }
0x42: {  	v1 =	vld [tilespmem:s24+$0x2040];
	_ =	sdelay $0x4  }
0x43: {  	[tilespmem:$0x7DC0] =	vst v1  }
0x44: {  	v1 =	vld [tilespmem:s24+$0x4940];
	_ =	sdelay $0x4  }
0x45: {  	[tilespmem:$0x7E40] =	vst v1  }
0x46: {  	v1 =	vld [tilespmem:s24+$0x2050];
	_ =	sdelay $0x4  }
0x47: {  	[tilespmem:$0x7DD0] =	vst v1  }
0x48: {  	v1 =	vld [tilespmem:s24+$0x4950];
	_ =	sdelay $0x4  }
0x49: {  	[tilespmem:$0x7E50] =	vst v1  }
0x4a: {  	v1 =	vld [tilespmem:s24+$0x2060];
	_ =	sdelay $0x4  }
0x4b: {  	[tilespmem:$0x7DE0] =	vst v1  }
0x4c: {  	v1 =	vld [tilespmem:s24+$0x4960];
	_ =	sdelay $0x4  }
0x4d: {  	[tilespmem:$0x7E60] =	vst v1  }
0x4e: {  	v1 =	vld [tilespmem:s24+$0x2070];
	_ =	sdelay $0x4  }
0x4f: {  	[tilespmem:$0x7DF0] =	vst v1  }
0x50: {  	v1 =	vld [tilespmem:s24+$0x4970];
	_ =	sdelay $0x4  }
0x51: {  	[tilespmem:$0x7E70] =	vst v1  }
0x52: {  	[tilespmem:s18], [sflag:$0x1] =	stream.indirect.gather [spmem:s2], $0x20, s17, s16, $0xb8;
	[tilespmem:$0xBE80] =	vst v63  }
0x53: {  	_ =	swait.ge [sflag:s13], $0x1000  }
0x54: {  	[sflag:s13] =	ssyncset.done $0x0  }
0x55: {  	s24 =	simm.s32 $0x0;
	[sflag:s13] =	ssyncadd.s32 $0xFFFFF000  }
0x56: {  	v10 =	vld [tilespmem:s24+$0x5D80]  }
0x57: {  	v9 =	vld [tilespmem:s24+$0x5D90]  }
0x58: {  	v8 =	vld [tilespmem:s24+$0x5DA0]  }
0x59: {  	v7 =	vld [tilespmem:s24+$0x5DB0]  }
0x5a: {  	v6 =	vld [tilespmem:s24+$0x5DC0]  }
0x5b: {  	v5 =	vld [tilespmem:s24+$0x5DD0]  }
0x5c: {  	v3 =	vld [tilespmem:s24+$0x5DE0]  }
0x5d: {  	v4 =	vld [tilespmem:s24+$0x5DF0]  }
0x5e: {  	v2 =	vld [tilespmem:s24+$0x5E00]  }
0x5f: {  	s25 =	simm.s32 $0x800;
	s26 =	smov.u32 s23;
	v1 =	vld [tilespmem:s23+$0x0]  }
.LBB2_5:
0x60: {  	p0 =	sne.s32 s25, $0x3800;
	v11 =	vld [tilespmem:s24+$0x5E10]  }
0x61: {  	v12 =	vld [tilespmem:s24+$0x5E20]  }
0x62: {  	v13 =	vld [tilespmem:s24+$0x5E30]  }
0x63: {  	v14 =	vld [tilespmem:s24+$0x5E40]  }
0x64: {  	v15 =	vbroadcast v1, $0x0;
	v16 =	vbroadcast v1, $0x1;
	v17 =	vld [tilespmem:s24+$0x5E50]  }
0x65: {  	v18 =	vbroadcast v1, $0x2;
	v19 =	vbroadcast v1, $0x3;
	v20 =	vld [tilespmem:s24+$0x5E60]  }
0x66: {  	v10 =	vmul.f32 v15, v10;
	v9 =	vmul.f32 v9, v15;
	v15 =	vld [tilespmem:s24+$0x5E70]  }
0x67: {  	v8 =	vmul.f32 v8, v16;
	v7 =	vmul.f32 v7, v16;
	v16 =	vld [tilespmem:s24+$0x5E80]  }
0x68: {  	v6 =	vmul.f32 v6, v18;
	v5 =	vmul.f32 v5, v18;
	[tilespmem:s24+$0x6D80] =	vst v10;
	v10 =	vld [tilespmem:s24+$0x5E90]  }
0x69: {  	v3 =	vmul.f32 v3, v19;
	v4 =	vmul.f32 v4, v19;
	[tilespmem:s24+$0x6D90] =	vst v9;
	v9 =	vld [tilespmem:s24+$0x5EA0]  }
0x6a: {  	v18 =	vbroadcast v1, $0x5;
	[tilespmem:s24+$0x6DA0] =	vst v8;
	v8 =	vbroadcast v1, $0x4;
	v19 =	vld [tilespmem:s24+$0x5EB0]  }
0x6b: {  	v21 =	vbroadcast v1, $0x7;
	[tilespmem:s24+$0x6DB0] =	vst v7;
	v7 =	vbroadcast v1, $0x6;
	v22 =	vld [tilespmem:s24+$0x5EC0]  }
0x6c: {  	[tilespmem:s24+$0x6DC0] =	vst v6;
	v2 =	vmul.f32 v2, v8;
	v6 =	vmul.f32 v11, v8;
	v8 =	vld [tilespmem:s24+$0x5ED0]  }
0x6d: {  	v11 =	vmul.f32 v13, v18;
	[tilespmem:s24+$0x6DD0] =	vst v5;
	v5 =	vmul.f32 v12, v18;
	v12 =	vld [tilespmem:s24+$0x5EE0]  }
0x6e: {  	[tilespmem:s24+$0x6DE0] =	vst v3;
	v3 =	vmul.f32 v14, v7;
	v7 =	vmul.f32 v17, v7;
	v13 =	vld [tilespmem:s24+$0x5EF0]  }
0x6f: {  	v14 =	vmul.f32 v15, v21;
	[tilespmem:s24+$0x6DF0] =	vst v4;
	v4 =	vmul.f32 v20, v21;
	v15 =	vld [tilespmem:s24+$0x5F00]  }
0x70: {  	v17 =	vbroadcast v1, $0x9;
	[tilespmem:s24+$0x6E00] =	vst v2;
	v2 =	vbroadcast v1, $0x8;
	v18 =	vld [tilespmem:s24+$0x5F10]  }
0x71: {  	v20 =	vbroadcast v1, $0xB;
	[tilespmem:s24+$0x6E10] =	vst v6;
	v6 =	vbroadcast v1, $0xA;
	v21 =	vld [tilespmem:s24+$0x5F20]  }
0x72: {  	[tilespmem:s24+$0x6E20] =	vst v5;
	v5 =	vmul.f32 v16, v2;
	v2 =	vmul.f32 v10, v2;
	v10 =	vld [tilespmem:s24+$0x5F30]  }
0x73: {  	v9 =	vmul.f32 v9, v17;
	[tilespmem:s24+$0x6E30] =	vst v11;
	v11 =	vmul.f32 v19, v17;
	v16 =	vld [tilespmem:s24+$0x5F40]  }
0x74: {  	[tilespmem:s24+$0x6E40] =	vst v3;
	v3 =	vmul.f32 v22, v6;
	v6 =	vmul.f32 v8, v6;
	v8 =	vld [tilespmem:s24+$0x5F50]  }
0x75: {  	[tilespmem:s24+$0x6E50] =	vst v7;
	v7 =	vmul.f32 v12, v20;
	v12 =	vmul.f32 v13, v20;
	v13 =	vld [tilespmem:s24+$0x5F60]  }
0x76: {  	v17 =	vbroadcast v1, $0xD;
	[tilespmem:s24+$0x6E60] =	vst v4;
	v4 =	vbroadcast v1, $0xC;
	v19 =	vld [tilespmem:s24+$0x5F70]  }
0x77: {  	[tilespmem:s24+$0x6E70] =	vst v14;
	v14 =	vbroadcast v1, $0xE;
	v1 =	vbroadcast v1, $0xF  }
0x78: {  	[tilespmem:s24+$0x6E80] =	vst v5;
	v5 =	vmul.f32 v15, v4;
	v4 =	vmul.f32 v18, v4  }
0x79: {  	v15 =	vmul.f32 v10, v17;
	[tilespmem:s24+$0x6E90] =	vst v2;
	v2 =	vmul.f32 v21, v17  }
0x7a: {  	v16 =	vmul.f32 v16, v14;
	v14 =	vmul.f32 v8, v14;
	[tilespmem:s24+$0x6EA0] =	vst v9  }
0x7b: {  	[tilespmem:s24+$0x6EB0] =	vst v11;
	v11 =	vmul.f32 v13, v1;
	v1 =	vmul.f32 v19, v1  }
0x7c: {  	[tilespmem:s24+$0x6EC0] =	vst v3  }
0x7d: {  	[tilespmem:s24+$0x6ED0] =	vst v6  }
0x7e: {  	s28 =	sshra.s32 s25, $0x2;
	[tilespmem:s24+$0x6EE0] =	vst v7  }
0x7f: {  	v10 =	vld [tilespmem:s28+$0x5D80];
	[tilespmem:s24+$0x6EF0] =	vst v12  }
0x80: {  	v9 =	vld [tilespmem:s28+$0x5D90];
	[tilespmem:s24+$0x6F00] =	vst v5  }
0x81: {  	v8 =	vld [tilespmem:s28+$0x5DA0];
	[tilespmem:s24+$0x6F10] =	vst v4  }
0x82: {  	v7 =	vld [tilespmem:s28+$0x5DB0];
	[tilespmem:s24+$0x6F20] =	vst v2  }
0x83: {  	v6 =	vld [tilespmem:s28+$0x5DC0];
	[tilespmem:s24+$0x6F30] =	vst v15  }
.Ltmp1:
0x84: {  	v5 =	vld [tilespmem:s28+$0x5DD0];
	[tilespmem:s24+$0x6F40] =	vst v16;
	(pc) =	sbr.rel @p0 .LBB2_5-.Ltmp1, $4  }
0x85: {  	v3 =	vld [tilespmem:s28+$0x5DE0];
	[tilespmem:s24+$0x6F50] =	vst v14  }
0x86: {  	v4 =	vld [tilespmem:s28+$0x5DF0];
	[tilespmem:s24+$0x6F60] =	vst v11  }
0x87: {  	s26 =	sadd.s32 $0x10, s26;
	v2 =	vld [tilespmem:s28+$0x5E00];
	[tilespmem:s24+$0x6F70] =	vst v1;
	s24 =	smov.u32 s28  }
0x88: {  	s25 =	sadd.s32 $0x800, s25;
	v1 =	vld [tilespmem:s26+$0x0]  }
0x89: {  	_ =	sdelay $0x3  }
0x8a: {  	v15 =	vbroadcast v1, $0x0;
	_ =	sdelay $0x1  }
0x8b: {  	v20 =	vbroadcast v1, $0x1;
	v10 =	vmul.f32 v15, v10  }
0x8c: {  	v9 =	vmul.f32 v9, v15  }
0x8d: {  	v37 =	vbroadcast v1, $0x2;
	v8 =	vmul.f32 v8, v20;
	[tilespmem:s24+$0x6D80] =	vst v10  }
0x8e: {  	v7 =	vmul.f32 v7, v20;
	[tilespmem:s24+$0x6D90] =	vst v9  }
0x8f: {  	v11 =	vld [tilespmem:s24+$0x5E10];
	v40 =	vbroadcast v1, $0x3;
	v6 =	vmul.f32 v6, v37;
	[tilespmem:s24+$0x6DA0] =	vst v8  }
0x90: {  	v12 =	vld [tilespmem:s24+$0x5E20];
	v5 =	vmul.f32 v5, v37;
	[tilespmem:s24+$0x6DB0] =	vst v7  }
0x91: {  	v13 =	vld [tilespmem:s24+$0x5E30];
	v43 =	vbroadcast v1, $0x4;
	v3 =	vmul.f32 v3, v40;
	[tilespmem:s24+$0x6DC0] =	vst v6  }
0x92: {  	v14 =	vld [tilespmem:s24+$0x5E40];
	v4 =	vmul.f32 v4, v40;
	[tilespmem:s24+$0x6DD0] =	vst v5  }
0x93: {  	v16 =	vld [tilespmem:s24+$0x5E50];
	v45 =	vbroadcast v1, $0x5;
	v2 =	vmul.f32 v2, v43;
	[tilespmem:s24+$0x6DE0] =	vst v3  }
0x94: {  	v17 =	vld [tilespmem:s24+$0x5E60];
	v11 =	vmul.f32 v11, v43;
	[tilespmem:s24+$0x6DF0] =	vst v4  }
0x95: {  	v18 =	vld [tilespmem:s24+$0x5E70];
	v47 =	vbroadcast v1, $0x6;
	v12 =	vmul.f32 v12, v45;
	[tilespmem:s24+$0x6E00] =	vst v2  }
0x96: {  	v19 =	vld [tilespmem:s24+$0x5E80];
	v13 =	vmul.f32 v13, v45;
	[tilespmem:s24+$0x6E10] =	vst v11  }
0x97: {  	v46 =	vld [tilespmem:s24+$0x5F20];
	v50 =	vbroadcast v1, $0x7;
	v14 =	vmul.f32 v14, v47;
	[tilespmem:s24+$0x6E20] =	vst v12  }
0x98: {  	v48 =	vld [tilespmem:s24+$0x5F30];
	v15 =	vmul.f32 v16, v47;
	[tilespmem:s24+$0x6E30] =	vst v13  }
0x99: {  	v35 =	vld [tilespmem:s24+$0x5E90];
	v53 =	vbroadcast v1, $0x8;
	v52 =	vmul.f32 v17, v50;
	[tilespmem:s24+$0x6E40] =	vst v14  }
0x9a: {  	v36 =	vld [tilespmem:s24+$0x5EA0];
	v60 =	vbroadcast v1, $0xD;
	v18 =	vmul.f32 v18, v50;
	[tilespmem:s24+$0x6E50] =	vst v15  }
0x9b: {  	v38 =	vld [tilespmem:s24+$0x5EB0];
	v19 =	vmul.f32 v19, v53;
	[tilespmem:s24+$0x6E60] =	vst v52  }
0x9c: {  	v39 =	vld [tilespmem:s24+$0x5EC0];
	v61 =	vmul.f32 v46, v60;
	[tilespmem:s24+$0x6E70] =	vst v18  }
0x9d: {  	v41 =	vld [tilespmem:s24+$0x5ED0];
	v55 =	vbroadcast v1, $0x9;
	v62 =	vmul.f32 v48, v60;
	[tilespmem:s24+$0x6E80] =	vst v19  }
0x9e: {  	v3 =	vld [tilespmem:s24+$0x5EF0];
	v10 =	vmul.f32 v35, v53;
	[tilespmem:s24+$0x6F20] =	vst v61  }
0x9f: {  	v42 =	vld [tilespmem:s24+$0x5EE0];
	v57 =	vbroadcast v1, $0xA;
	v9 =	vmul.f32 v36, v55;
	[tilespmem:s24+$0x6F30] =	vst v62  }
0xa0: {  	v2 =	vld [tilespmem:s24+$0x5F10];
	v8 =	vmul.f32 v38, v55;
	[tilespmem:s24+$0x6E90] =	vst v10  }
0xa1: {  	v44 =	vld [tilespmem:s24+$0x5F00];
	v58 =	vbroadcast v1, $0xB;
	v7 =	vmul.f32 v39, v57;
	[tilespmem:s24+$0x6EA0] =	vst v9  }
0xa2: {  	v49 =	vld [tilespmem:s24+$0x5F40];
	v6 =	vmul.f32 v41, v57;
	[tilespmem:s24+$0x6EB0] =	vst v8  }
0xa3: {  	v51 =	vld [tilespmem:s24+$0x5F50];
	v59 =	vbroadcast v1, $0xC;
	[tilespmem:s24+$0x6EC0] =	vst v7;
	v3 =	vmul.f32 v3, v58  }
0xa4: {  	v54 =	vld [tilespmem:s24+$0x5F60];
	v5 =	vmul.f32 v42, v58;
	[tilespmem:s24+$0x6ED0] =	vst v6  }
0xa5: {  	v56 =	vld [tilespmem:s24+$0x5F70];
	v2 =	vmul.f32 v2, v59;
	[tilespmem:s24+$0x6EF0] =	vst v3;
	v3 =	vbroadcast v1, $0xE  }
0xa6: {  	v4 =	vmul.f32 v44, v59;
	[tilespmem:s24+$0x6EE0] =	vst v5  }
0xa7: {  	[tilespmem:s24+$0x6F10] =	vst v2;
	v1 =	vbroadcast v1, $0xF;
	v2 =	vmul.f32 v49, v3  }
0xa8: {  	[tilespmem:s24+$0x6F00] =	vst v4;
	v3 =	vmul.f32 v51, v3  }
0xa9: {  	v63 =	vmul.f32 v54, v1;
	[tilespmem:s24+$0x6F40] =	vst v2  }
0xaa: {  	s22 =	sadd.s32 $0x1, s22;
	v1 =	vmul.f32 v56, v1;
	[tilespmem:s24+$0x6F50] =	vst v3  }
0xab: {  	p0 =	sne.s32 s22, $0x29;
	[tilespmem:s24+$0x6F60] =	vst v63  }
.Ltmp2:
0xac: {  	[tilespmem:s24+$0x6F70] =	vst v1;
	(pc) =	sbr.rel @p0 .LBB2_4-.Ltmp2, $4  }
0xad: {  	[spmem:s1] =	stream.indirect.scatter.add.f32 [tilespmem:s20], [sflag:$0x1], $0x20, s19, s16, $0xb8;
	[tilespmem:$0xBE80] =	vst v63  }
0xae: {  	_ =	swait.ge [sflag:s13], $0x1000  }
0xaf: {  	[sflag:s13] =	ssyncset.done $0x0  }
0xb0: {  	s23 =	sadd.s32 $0x80, s23;
	[sflag:s13] =	ssyncadd.s32 $0xFFFFF000  }
0xb1: {  	[bflag:$0x0] =	sbarrier.arrive $0xFFFF  }
0xb2: {  	[tilespmem:s4], [sflag:$0x1] =	stream.linear.gather [spmem:s5], $0x2000, $0x38;
	[tilespmem:$0xBE80] =	vst v63  }
0xb3: {  	s21 =	sadd.s32 $0x1, s21;
	_ =	swait.ge [sflag:s13], $0x2000  }
0xb4: {  	p0 =	sne.s32 s21, s12;
	[sflag:s13] =	ssyncset.done $0x0  }
.Ltmp3:
0xb5: {  	[sflag:s13] =	ssyncadd.s32 $0xFFFFE000;
	(pc) =	sbr.rel @p0 .LBB2_1-.Ltmp3, $4  }
0xb6: {  	[hbm4b:s11+s4] =	stream.linear.scatter [tilespmem:s4], [sflag:$0x1], $0x2000, $0x38;
	[tilespmem:$0xBE80] =	vst v63  }
0xb7: {  	_ =	swait.ge [sflag:s13], $0x2000  }
0xb8: {  	[sflag:s13] =	ssyncset.done $0x0  }
0xb9: {  	[sflag:s13] =	ssyncadd.s32 $0xFFFFE000  }
0xba: {  	_ =	sfence.sel $0x180000  }
0xbb: {  	[bflag:$0x0] =	sbarrier.arrive $0xFFFF  }
0xbc: {  	p0 =	sne.s32 s3, $0x0;
	_ =	strace $0x90000047  }
0xbd: {  	s0 =	sadd.s32 @!p0 $0x100000, s0;
	[bflag:$0x2] =	sbarrier.arrive $0xFFFF  }
0xbe: {  	[sflag:s0] =	ssyncadd.tile.s32 @!p0 $0x1;
	_ =	shalt  }
.Lfunc_end2:
_tile_overlayer_lowered:
.L_overlay_start_2:
0xbf: {  	(tag) =	ssettag $0x2  }
0xc0: {  	s0 =	rddreg [dreg:$0x0];
	s2 =	stileid.u32  }
0xc1: {  	s1 =	rddreg [dreg:$0x1];
	p0 =	sne.s32 s2, $0x0  }
0xc2: {  	s3 =	rddreg [dreg:$0x2];
	[bflag:$0x3] =	sbarrier.arrive $0xFFFF;
	s2 =	simm.s32 @!p0 $0x1C01  }
0xc3: {  	[timem:s3], [sflag:s2] =	dma.local @!p0 [hbm:s0], s1  }
0xc4: {  	s0 =	simm.s32 @!p0 $0x1  }
0xc5: {  	_ =	swait.ge @!p0 [sflag:s0], s1  }
0xc6: {  	s1 =	ssub.s32 @!p0 $0x0, s1;
	[sflag:s0] =	ssyncset.done @!p0 $0x0  }
0xc7: {  	[sflag:s0] =	ssyncadd.s32 @!p0 s1  }
0xc8: {  	[bflag:$0x3] =	sbarrier.arrive $0xFFFF  }
0xc9: {  	_ =	shalt  }

</sc_bundles>
